<compile_context>
chip_gen: v7x
topology: tpu7x:2x2x1
jax: 0.10.2.dev20260603
libtpu: 0.0.44.dev20260713+nightly
codegen_flags: <defaults>
</compile_context>

<pallas_src>
import functools

import numpy as np
import jax
import jax.numpy as jnp
from jax import lax
from jax.experimental import pallas as pl
from jax.experimental.pallas import tpu as pltpu
from jax.experimental.pallas import tpu_sc as plsc


def _pe_table(seq_len, d_model):
    pos = np.arange(seq_len)[:, None].astype(np.float32)
    i = np.arange(d_model)[None, :].astype(np.float32)
    angle_rates = 1.0 / np.power(
        10000.0, (2.0 * np.floor(i / 2.0)) / np.float32(d_model))
    angle_rads = pos * angle_rates
    pe = np.zeros((seq_len, d_model), dtype=np.float32)
    pe[:, 0::2] = np.sin(angle_rads[:, 0::2])
    pe[:, 1::2] = np.cos(angle_rads[:, 1::2])
    return pe


@functools.lru_cache(maxsize=None)
def _make_sc_gather(V, D, S, B):
    try:
        info = plsc.get_sparse_core_info()
        NC, NS, L = info.num_cores, info.num_subcores, info.num_lanes
    except ValueError:
        NC, NS, L = 2, 16, 16
    NW = NC * NS
    assert B == 128 * NW, "one 128-token batch block per worker"
    assert D == 64 and S % 8 == 0
    NK = S // 8

    mesh = plsc.VectorSubcoreMesh(
        core_axis_name="c", subcore_axis_name="s",
        num_cores=NC, num_subcores=NS)

    @functools.partial(
        pl.kernel,
        out_type=jax.ShapeDtypeStruct((S, NW, 128, D), jnp.float32),
        mesh=mesh,
        scratch_types=[
            pltpu.VMEM((2, 8, 128), jnp.int32),
            pltpu.VMEM((3, 128, D), jnp.float32),
            pltpu.SemaphoreType.DMA,
            pltpu.SemaphoreType.DMA,
            pltpu.SemaphoreType.DMA,
        ],
        compiler_params=pltpu.CompilerParams(use_tc_tiling_on_sc=False),
    )
    def sc_gather(t_hbm, idxT_hbm, o_hbm, idx_v, rows_v,
                  idx_sem, g_sem, out_sem):
        wid = lax.axis_index("s") * NC + lax.axis_index("c")
        bb = wid

        def fetch_idx(k, p):
            pltpu.async_copy(
                idxT_hbm.at[pl.ds(k * 8, 8), pl.ds(bb * 128, 128)],
                idx_v.at[p], idx_sem)

        def wait_idx(p):
            pltpu.make_async_copy(
                idxT_hbm.at[pl.ds(0, 8), pl.ds(0, 128)], idx_v.at[p],
                idx_sem).wait()

        def start_gather(u, p):
            k = lax.rem(u // 8, 2)
            r = lax.rem(u, 8)
            pltpu.async_copy(t_hbm.at[idx_v.at[k, r]], rows_v.at[p], g_sem)

        def wait_gather(p):
            pltpu.make_async_copy(
                t_hbm.at[idx_v.at[0, 0]], rows_v.at[p], g_sem).wait()

        def wait_out():
            pltpu.make_async_copy(
                rows_v.at[0], o_hbm.at[0, 0], out_sem).wait()

        fetch_idx(0, 0)
        wait_idx(0)
        start_gather(0, 0)

        def unit(u, carry):
            k = u // 8
            r = lax.rem(u, 8)
            p = lax.rem(u, 3)

            @pl.when(jnp.logical_and(r == 0, k + 1 < NK))
            def _():
                fetch_idx(k + 1, lax.rem(k + 1, 2))

            @pl.when(jnp.logical_and(r == 7, k + 1 < NK))
            def _():
                wait_idx(lax.rem(k + 1, 2))

            @pl.when(u >= 2)
            def _():
                wait_out()

            @pl.when(u + 1 < S)
            def _():
                start_gather(u + 1, lax.rem(u + 1, 3))

            wait_gather(p)
            pltpu.async_copy(rows_v.at[p], o_hbm.at[u, bb], out_sem)
            return carry

        lax.fori_loop(0, S, unit, 0, unroll=False)
        wait_out()
        wait_out()

    return sc_gather


@functools.lru_cache(maxsize=None)
def _make_tc_transform(S, B, D, NW):
    DG = D // 8

    def tck(pe_ref, in_ref, out_ref):
        pe_row = pe_ref[pl.program_id(0)]
        for bb in range(NW):
            toks = in_ref[0, bb]
            y = toks + pe_row[None, :]
            out_ref[0, :, bb] = y.T.reshape(DG, 8, 128)

    return pl.pallas_call(
        tck,
        grid=(S,),
        in_specs=[
            pl.BlockSpec((S, D), lambda s: (0, 0)),
            pl.BlockSpec((1, NW, 128, D), lambda s: (s, 0, 0, 0)),
        ],
        out_specs=pl.BlockSpec(
            (1, DG, NW, 8, 128), lambda s: (s, 0, 0, 0, 0)),
        out_shape=jax.ShapeDtypeStruct((S, DG, NW, 8, 128), jnp.float32),
    )


def kernel(inputs, table):
    B, S = inputs.shape
    V, D = table.shape
    NW = 32
    idxT = inputs.astype(jnp.int32).T
    pe = jnp.asarray(_pe_table(S, D))
    gathered = _make_sc_gather(V, D, S, B)(table, idxT)
    out5d = _make_tc_transform(S, B, D, NW)(pe, gathered)
    return out5d.transpose(2, 4, 0, 1, 3).reshape(B, S, D)

# --- scband reference (transcript-rebuilt; emitter-appended) ---
"""Pipeline reference for scband-word-embedding-4449586118877 (READ-ONLY COPY).

The authoritative reference and input builder live on the scoring server;
editing this copy changes nothing except your own understanding.
"""

import jax, jax.numpy as jnp
import numpy as np

VOCAB = 1000000
EMBED_DIM = 64
BATCH = 4096
SEQ = 200


def _positional_encoding(seq_len, d_model, dtype=jnp.float32):
    # Standard sinusoidal positional encoding (Vaswani et al.)
    pos = np.arange(seq_len)[:, None].astype(np.float32)
    i = np.arange(d_model)[None, :].astype(np.float32)
    angle_rates = 1.0 / np.power(10000.0, (2.0 * np.floor(i / 2.0)) / np.float32(d_model))
    angle_rads = pos * angle_rates
    pe = np.zeros((seq_len, d_model), dtype=np.float32)
    pe[:, 0::2] = np.sin(angle_rads[:, 0::2])
    pe[:, 1::2] = np.cos(angle_rads[:, 1::2])
    return jnp.asarray(pe, dtype=dtype)


def setup_inputs(seed: int = 0) -> dict:
    key = jax.random.key(seed)
    k1, k2 = jax.random.split(key)
    inputs = jax.random.randint(k1, (BATCH, SEQ), 0, VOCAB, dtype=jnp.int64 if jax.config.jax_enable_x64 else jnp.int32)
    # Keras Embedding default init: uniform(-0.05, 0.05)
    table = jax.random.uniform(k2, (VOCAB, EMBED_DIM), dtype=jnp.float32, minval=-0.05, maxval=0.05)
    return {"inputs": inputs, "table": table}


def reference(inputs, table):
    # TokenEmbedding: plain embedding lookup
    emb = jnp.take(table, inputs, axis=0)  # [B, S, D]
    # PositionalEncoding: add sinusoidal PE
    pe = _positional_encoding(emb.shape[1], emb.shape[2], dtype=emb.dtype)
    return emb + pe[None, :, :]

if __name__ == "__main__":
    import jax
    _d = setup_inputs()
    print(jax.jit(kernel)(*tuple(_d.values())))

</pallas_src>

<mosaic_0001>
#map = affine_map<(d0, d1) -> (0, 0)>
#map1 = affine_map<(d0, d1) -> (0, 0, 0, 0)>
module attributes {stable_mosaic.version = 14 : i64} {
  func.func @sc_gather(%arg0: i32, %arg1: i32, %arg2: memref<1000000x64xf32, #tpu.memory_space<hbm>>, %arg3: memref<200x4096xi32, #tpu.memory_space<hbm>>, %arg4: memref<200x32x128x64xf32, #tpu.memory_space<hbm>>, %arg5: memref<2x8x128xi32, #tpu.memory_space<vmem>>, %arg6: memref<3x128x64xf32, #tpu.memory_space<vmem>>, %arg7: memref<!tpu.dma_semaphore, #tpu.memory_space<semaphore_mem>>, %arg8: memref<!tpu.dma_semaphore, #tpu.memory_space<semaphore_mem>>, %arg9: memref<!tpu.dma_semaphore, #tpu.memory_space<semaphore_mem>>) attributes {dimension_semantics = [#tpu.dimension_semantics<core_parallel>, #tpu.dimension_semantics<subcore_parallel>], iteration_bounds = array<i64: 2, 16>, scalar_prefetch = 0 : i64, scratch_operands = 5 : i64, tpu.core_type = #tpu.core_type<sc_vector_subcore>, window_params = [{transform_indices = #map}, {transform_indices = #map}, {transform_indices = #map1}]} {
    %mul3A = arith.constant 2 : i32
    %mul3A_0 = arith.muli %arg1, %mul3A : i32
    %add3A = arith.addi %mul3A_0, %arg0 : i32
    %mul3A_1 = arith.constant 128 : i32
    %mul3A_2 = arith.muli %add3A, %mul3A_1 : i32
    %dma_start3A = arith.constant 0 : i32
    %dma_start3A_3 = arith.constant 0 : i32
    %dma_start3A_4 = arith.constant 0 : i32
    %dma_start3A_5 = tpu.memref_slice %arg5[%dma_start3A, %dma_start3A_3, %dma_start3A_4] : memref<2x8x128xi32, #tpu.memory_space<vmem>> -> memref<1x8x128xi32, #tpu.memory_space<vmem>>
    %dma_start3A_6 = tpu.memref_squeeze %dma_start3A_5 : memref<1x8x128xi32, #tpu.memory_space<vmem>> -> memref<8x128xi32, #tpu.memory_space<vmem>>
    %dma_start3A_7 = arith.constant 0 : i32
    %dma_start3A_8 = tpu.memref_slice %arg3[%dma_start3A_7, %mul3A_2] : memref<200x4096xi32, #tpu.memory_space<hbm>> -> memref<8x128xi32, #tpu.memory_space<hbm>>
    %dma_start3A_9 = arith.constant 0 : i32
    %dma_start3A_10 = arith.constant 0 : i32
    %dma_start3A_11 = tpu.memref_slice %arg5[%dma_start3A, %dma_start3A_9, %dma_start3A_10] : memref<2x8x128xi32, #tpu.memory_space<vmem>> -> memref<1x8x128xi32, #tpu.memory_space<vmem>>
    %dma_start3A_12 = tpu.memref_squeeze %dma_start3A_11 : memref<1x8x128xi32, #tpu.memory_space<vmem>> -> memref<8x128xi32, #tpu.memory_space<vmem>>
    %dma_start3A_13 = arith.constant 0 : i32
    %dma_start3A_14 = tpu.memref_slice %arg3[%dma_start3A_13, %mul3A_2] : memref<200x4096xi32, #tpu.memory_space<hbm>> -> memref<8x128xi32, #tpu.memory_space<hbm>>
    tpu.enqueue_dma source(%dma_start3A_14 : memref<8x128xi32, #tpu.memory_space<hbm>>) target(%dma_start3A_12 : memref<8x128xi32, #tpu.memory_space<vmem>>) target_semaphore(%arg7 : memref<!tpu.dma_semaphore, #tpu.memory_space<semaphore_mem>>)
    %dma_wait3A = arith.constant 0 : i32
    %dma_wait3A_15 = arith.constant 0 : i32
    %dma_wait3A_16 = arith.constant 0 : i32
    %dma_wait3A_17 = tpu.memref_slice %arg5[%dma_wait3A, %dma_wait3A_15, %dma_wait3A_16] : memref<2x8x128xi32, #tpu.memory_space<vmem>> -> memref<1x8x128xi32, #tpu.memory_space<vmem>>
    %dma_wait3A_18 = tpu.memref_squeeze %dma_wait3A_17 : memref<1x8x128xi32, #tpu.memory_space<vmem>> -> memref<8x128xi32, #tpu.memory_space<vmem>>
    %dma_wait3A_19 = arith.constant 0 : i32
    %dma_wait3A_20 = arith.constant 0 : i32
    %dma_wait3A_21 = tpu.memref_slice %arg3[%dma_wait3A_19, %dma_wait3A_20] : memref<200x4096xi32, #tpu.memory_space<hbm>> -> memref<8x128xi32, #tpu.memory_space<hbm>>
    %dma_wait3A_22 = arith.constant 0 : i32
    %dma_wait3A_23 = arith.constant 0 : i32
    %dma_wait3A_24 = tpu.memref_slice %arg5[%dma_wait3A, %dma_wait3A_22, %dma_wait3A_23] : memref<2x8x128xi32, #tpu.memory_space<vmem>> -> memref<1x8x128xi32, #tpu.memory_space<vmem>>
    %dma_wait3A_25 = tpu.memref_squeeze %dma_wait3A_24 : memref<1x8x128xi32, #tpu.memory_space<vmem>> -> memref<8x128xi32, #tpu.memory_space<vmem>>
    %dma_wait3A_26 = arith.constant 0 : i32
    %dma_wait3A_27 = arith.constant 0 : i32
    %dma_wait3A_28 = tpu.memref_slice %arg3[%dma_wait3A_26, %dma_wait3A_27] : memref<200x4096xi32, #tpu.memory_space<hbm>> -> memref<8x128xi32, #tpu.memory_space<hbm>>
    tpu.wait_dma2 semaphore(%arg7 : memref<!tpu.dma_semaphore, #tpu.memory_space<semaphore_mem>>) src(%dma_wait3A_28 : memref<8x128xi32, #tpu.memory_space<hbm>>) dst(%dma_wait3A_25 : memref<8x128xi32, #tpu.memory_space<vmem>>)
    %rem3A = arith.constant 0 : i32
    %rem3A_29 = arith.constant 2 : i32
    %rem3A_30 = arith.remsi %rem3A, %rem3A_29 : i32
    %rem3A_31 = arith.constant 0 : i32
    %rem3A_32 = arith.constant 8 : i32
    %rem3A_33 = arith.remsi %rem3A_31, %rem3A_32 : i32
    %dma_start3A_34 = arith.constant 0 : i32
    %dma_start3A_35 = arith.constant 0 : i32
    %dma_start3A_36 = arith.constant 0 : i32
    %dma_start3A_37 = tpu.memref_slice %arg6[%dma_start3A_34, %dma_start3A_35, %dma_start3A_36] : memref<3x128x64xf32, #tpu.memory_space<vmem>> -> memref<1x128x64xf32, #tpu.memory_space<vmem>>
    %dma_start3A_38 = tpu.memref_squeeze %dma_start3A_37 : memref<1x128x64xf32, #tpu.memory_space<vmem>> -> memref<128x64xf32, #tpu.memory_space<vmem>>
    %dma_start3A_39 = arith.constant 0 : i32
    %dma_start3A_40 = tpu.memref_slice %arg5[%rem3A_30, %rem3A_33, %dma_start3A_39] : memref<2x8x128xi32, #tpu.memory_space<vmem>> -> memref<1x1x128xi32, #tpu.memory_space<vmem>>
    %dma_start3A_41 = tpu.memref_squeeze %dma_start3A_40 : memref<1x1x128xi32, #tpu.memory_space<vmem>> -> memref<128xi32, #tpu.memory_space<vmem>>
    %dma_start3A_42 = arith.constant 0 : i32
    %dma_start3A_43 = arith.constant 0 : i32
    %dma_start3A_44 = tpu.memref_slice %arg2[%dma_start3A_42, %dma_start3A_43] : memref<1000000x64xf32, #tpu.memory_space<hbm>> -> memref<1000000x64xf32, #tpu.memory_space<hbm>>
    tpu.enqueue_indirect_dma source(%dma_start3A_44 : memref<1000000x64xf32, #tpu.memory_space<hbm>>) target(%dma_start3A_38 : memref<128x64xf32, #tpu.memory_space<vmem>>) offsets(%dma_start3A_41 : memref<128xi32, #tpu.memory_space<vmem>>) semaphore(%arg8 : memref<!tpu.dma_semaphore, #tpu.memory_space<semaphore_mem>>)
    %scan3A = arith.constant 0 : i32
    %scan3A_45 = arith.constant 0 : i32
    %scan3A_46 = arith.constant 200 : i32
    %scan3A_47 = arith.addi %scan3A_45, %scan3A_46 : i32
    %scan3A_48 = arith.constant 1 : i32
    scf.for %scan3A_88 = %scan3A_45 to %scan3A_47 step %scan3A_48  : i32 {
      %jit3A = arith.constant 8 : i32
      %div3A = arith.divsi %scan3A_88, %jit3A : i32
      %sign3A = arith.constant 0 : i32
      %sign3A_89 = arith.cmpi sgt, %scan3A_88, %sign3A : i32
      %sign3A_90 = arith.extui %sign3A_89 : i1 to i32
      %sign3A_91 = arith.constant 0 : i32
      %sign3A_92 = arith.cmpi slt, %scan3A_88, %sign3A_91 : i32
      %sign3A_93 = arith.extui %sign3A_92 : i1 to i32
      %sign3A_94 = arith.subi %sign3A_90, %sign3A_93 : i32
      %sign3A_95 = arith.constant 0 : i32
      %sign3A_96 = arith.cmpi sgt, %jit3A, %sign3A_95 : i32
      %sign3A_97 = arith.extui %sign3A_96 : i1 to i32
      %sign3A_98 = arith.constant 0 : i32
      %sign3A_99 = arith.cmpi slt, %jit3A, %sign3A_98 : i32
      %sign3A_100 = arith.extui %sign3A_99 : i1 to i32
      %sign3A_101 = arith.subi %sign3A_97, %sign3A_100 : i32
      %ne3A = arith.cmpi ne, %sign3A_94, %sign3A_101 : i32
      %rem3A_102 = arith.remsi %scan3A_88, %jit3A : i32
      %ne3A_103 = arith.constant 0 : i32
      %ne3A_104 = arith.cmpi ne, %rem3A_102, %ne3A_103 : i32
      %and3A = arith.andi %ne3A, %ne3A_104 : i1
      %sub3A = arith.constant 1 : i32
      %sub3A_105 = arith.subi %div3A, %sub3A : i32
      %select_n3A = arith.select %and3A, %sub3A_105, %div3A : i32
      %rem3A_106 = arith.constant 8 : i32
      %rem3A_107 = arith.remsi %scan3A_88, %rem3A_106 : i32
      %rem3A_108 = arith.constant 3 : i32
      %rem3A_109 = arith.remsi %scan3A_88, %rem3A_108 : i32
      %eq3A = arith.constant 0 : i32
      %eq3A_110 = arith.cmpi eq, %rem3A_107, %eq3A : i32
      %add3A_111 = arith.constant 1 : i32
      %add3A_112 = arith.addi %select_n3A, %add3A_111 : i32
      %lt3A = arith.constant 25 : i32
      %lt3A_113 = arith.cmpi slt, %add3A_112, %lt3A : i32
      %and3A_114 = arith.andi %eq3A_110, %lt3A_113 : i1
      %convert_element_type3A = arith.extui %and3A_114 : i1 to i32
      %cond3A = arith.constant 0 : i32
      %cond3A_115 = arith.cmpi ne, %convert_element_type3A, %cond3A : i32
      scf.if %cond3A_115 {
        %add3A_165 = arith.constant 1 : i32
        %add3A_166 = arith.addi %select_n3A, %add3A_165 : i32
        %add3A_167 = arith.constant 1 : i32
        %add3A_168 = arith.addi %select_n3A, %add3A_167 : i32
        %rem3A_169 = arith.constant 2 : i32
        %rem3A_170 = arith.remsi %add3A_168, %rem3A_169 : i32
        %mul3A_171 = arith.constant 8 : i32
        %mul3A_172 = arith.muli %add3A_166, %mul3A_171 : i32
        %mul3A_173 = arith.constant 128 : i32
        %mul3A_174 = arith.muli %add3A, %mul3A_173 : i32
        %dma_start3A_175 = arith.constant 0 : i32
        %dma_start3A_176 = arith.constant 0 : i32
        %dma_start3A_177 = tpu.memref_slice %arg5[%rem3A_170, %dma_start3A_175, %dma_start3A_176] : memref<2x8x128xi32, #tpu.memory_space<vmem>> -> memref<1x8x128xi32, #tpu.memory_space<vmem>>
        %dma_start3A_178 = tpu.memref_squeeze %dma_start3A_177 : memref<1x8x128xi32, #tpu.memory_space<vmem>> -> memref<8x128xi32, #tpu.memory_space<vmem>>
        %dma_start3A_179 = tpu.memref_slice %arg3[%mul3A_172, %mul3A_174] : memref<200x4096xi32, #tpu.memory_space<hbm>> -> memref<8x128xi32, #tpu.memory_space<hbm>>
        %dma_start3A_180 = arith.constant 0 : i32
        %dma_start3A_181 = arith.constant 0 : i32
        %dma_start3A_182 = tpu.memref_slice %arg5[%rem3A_170, %dma_start3A_180, %dma_start3A_181] : memref<2x8x128xi32, #tpu.memory_space<vmem>> -> memref<1x8x128xi32, #tpu.memory_space<vmem>>
        %dma_start3A_183 = tpu.memref_squeeze %dma_start3A_182 : memref<1x8x128xi32, #tpu.memory_space<vmem>> -> memref<8x128xi32, #tpu.memory_space<vmem>>
        %dma_start3A_184 = tpu.memref_slice %arg3[%mul3A_172, %mul3A_174] : memref<200x4096xi32, #tpu.memory_space<hbm>> -> memref<8x128xi32, #tpu.memory_space<hbm>>
        tpu.enqueue_dma source(%dma_start3A_184 : memref<8x128xi32, #tpu.memory_space<hbm>>) target(%dma_start3A_183 : memref<8x128xi32, #tpu.memory_space<vmem>>) target_semaphore(%arg7 : memref<!tpu.dma_semaphore, #tpu.memory_space<semaphore_mem>>)
      } else {
      }
      %eq3A_116 = arith.constant 7 : i32
      %eq3A_117 = arith.cmpi eq, %rem3A_107, %eq3A_116 : i32
      %add3A_118 = arith.constant 1 : i32
      %add3A_119 = arith.addi %select_n3A, %add3A_118 : i32
      %lt3A_120 = arith.constant 25 : i32
      %lt3A_121 = arith.cmpi slt, %add3A_119, %lt3A_120 : i32
      %and3A_122 = arith.andi %eq3A_117, %lt3A_121 : i1
      %convert_element_type3A_123 = arith.extui %and3A_122 : i1 to i32
      %cond3A_124 = arith.constant 0 : i32
      %cond3A_125 = arith.cmpi ne, %convert_element_type3A_123, %cond3A_124 : i32
      scf.if %cond3A_125 {
        %add3A_165 = arith.constant 1 : i32
        %add3A_166 = arith.addi %select_n3A, %add3A_165 : i32
        %rem3A_167 = arith.constant 2 : i32
        %rem3A_168 = arith.remsi %add3A_166, %rem3A_167 : i32
        %dma_wait3A_169 = arith.constant 0 : i32
        %dma_wait3A_170 = arith.constant 0 : i32
        %dma_wait3A_171 = tpu.memref_slice %arg5[%rem3A_168, %dma_wait3A_169, %dma_wait3A_170] : memref<2x8x128xi32, #tpu.memory_space<vmem>> -> memref<1x8x128xi32, #tpu.memory_space<vmem>>
        %dma_wait3A_172 = tpu.memref_squeeze %dma_wait3A_171 : memref<1x8x128xi32, #tpu.memory_space<vmem>> -> memref<8x128xi32, #tpu.memory_space<vmem>>
        %dma_wait3A_173 = arith.constant 0 : i32
        %dma_wait3A_174 = arith.constant 0 : i32
        %dma_wait3A_175 = tpu.memref_slice %arg3[%dma_wait3A_173, %dma_wait3A_174] : memref<200x4096xi32, #tpu.memory_space<hbm>> -> memref<8x128xi32, #tpu.memory_space<hbm>>
        %dma_wait3A_176 = arith.constant 0 : i32
        %dma_wait3A_177 = arith.constant 0 : i32
        %dma_wait3A_178 = tpu.memref_slice %arg5[%rem3A_168, %dma_wait3A_176, %dma_wait3A_177] : memref<2x8x128xi32, #tpu.memory_space<vmem>> -> memref<1x8x128xi32, #tpu.memory_space<vmem>>
        %dma_wait3A_179 = tpu.memref_squeeze %dma_wait3A_178 : memref<1x8x128xi32, #tpu.memory_space<vmem>> -> memref<8x128xi32, #tpu.memory_space<vmem>>
        %dma_wait3A_180 = arith.constant 0 : i32
        %dma_wait3A_181 = arith.constant 0 : i32
        %dma_wait3A_182 = tpu.memref_slice %arg3[%dma_wait3A_180, %dma_wait3A_181] : memref<200x4096xi32, #tpu.memory_space<hbm>> -> memref<8x128xi32, #tpu.memory_space<hbm>>
        tpu.wait_dma2 semaphore(%arg7 : memref<!tpu.dma_semaphore, #tpu.memory_space<semaphore_mem>>) src(%dma_wait3A_182 : memref<8x128xi32, #tpu.memory_space<hbm>>) dst(%dma_wait3A_179 : memref<8x128xi32, #tpu.memory_space<vmem>>)
      } else {
      }
      %ge3A = arith.constant 2 : i32
      %ge3A_126 = arith.cmpi sge, %scan3A_88, %ge3A : i32
      %convert_element_type3A_127 = arith.extui %ge3A_126 : i1 to i32
      %cond3A_128 = arith.constant 0 : i32
      %cond3A_129 = arith.cmpi ne, %convert_element_type3A_127, %cond3A_128 : i32
      scf.if %cond3A_129 {
        %dma_wait3A_165 = arith.constant 0 : i32
        %dma_wait3A_166 = arith.constant 0 : i32
        %dma_wait3A_167 = arith.constant 0 : i32
        %dma_wait3A_168 = arith.constant 0 : i32
        %dma_wait3A_169 = arith.constant 0 : i32
        %dma_wait3A_170 = tpu.memref_slice %arg6[%dma_wait3A_165, %dma_wait3A_168, %dma_wait3A_169] : memref<3x128x64xf32, #tpu.memory_space<vmem>> -> memref<1x128x64xf32, #tpu.memory_space<vmem>>
        %dma_wait3A_171 = tpu.memref_squeeze %dma_wait3A_170 : memref<1x128x64xf32, #tpu.memory_space<vmem>> -> memref<128x64xf32, #tpu.memory_space<vmem>>
        %dma_wait3A_172 = arith.constant 0 : i32
        %dma_wait3A_173 = arith.constant 0 : i32
        %dma_wait3A_174 = tpu.memref_slice %arg4[%dma_wait3A_166, %dma_wait3A_167, %dma_wait3A_172, %dma_wait3A_173] : memref<200x32x128x64xf32, #tpu.memory_space<hbm>> -> memref<1x1x128x64xf32, #tpu.memory_space<hbm>>
        %dma_wait3A_175 = tpu.memref_squeeze %dma_wait3A_174 : memref<1x1x128x64xf32, #tpu.memory_space<hbm>> -> memref<128x64xf32, #tpu.memory_space<hbm>>
        %dma_wait3A_176 = arith.constant 0 : i32
        %dma_wait3A_177 = arith.constant 0 : i32
        %dma_wait3A_178 = tpu.memref_slice %arg4[%dma_wait3A_166, %dma_wait3A_167, %dma_wait3A_176, %dma_wait3A_177] : memref<200x32x128x64xf32, #tpu.memory_space<hbm>> -> memref<1x1x128x64xf32, #tpu.memory_space<hbm>>
        %dma_wait3A_179 = tpu.memref_squeeze %dma_wait3A_178 : memref<1x1x128x64xf32, #tpu.memory_space<hbm>> -> memref<128x64xf32, #tpu.memory_space<hbm>>
        %dma_wait3A_180 = arith.constant 0 : i32
        %dma_wait3A_181 = arith.constant 0 : i32
        %dma_wait3A_182 = tpu.memref_slice %arg6[%dma_wait3A_165, %dma_wait3A_180, %dma_wait3A_181] : memref<3x128x64xf32, #tpu.memory_space<vmem>> -> memref<1x128x64xf32, #tpu.memory_space<vmem>>
        %dma_wait3A_183 = tpu.memref_squeeze %dma_wait3A_182 : memref<1x128x64xf32, #tpu.memory_space<vmem>> -> memref<128x64xf32, #tpu.memory_space<vmem>>
        tpu.wait_dma2 semaphore(%arg9 : memref<!tpu.dma_semaphore, #tpu.memory_space<semaphore_mem>>) src(%dma_wait3A_183 : memref<128x64xf32, #tpu.memory_space<vmem>>) dst(%dma_wait3A_179 : memref<128x64xf32, #tpu.memory_space<hbm>>)
      } else {
      }
      %add3A_130 = arith.constant 1 : i32
      %add3A_131 = arith.addi %scan3A_88, %add3A_130 : i32
      %lt3A_132 = arith.constant 200 : i32
      %lt3A_133 = arith.cmpi slt, %add3A_131, %lt3A_132 : i32
      %convert_element_type3A_134 = arith.extui %lt3A_133 : i1 to i32
      %cond3A_135 = arith.constant 0 : i32
      %cond3A_136 = arith.cmpi ne, %convert_element_type3A_134, %cond3A_135 : i32
      scf.if %cond3A_136 {
        %add3A_165 = arith.constant 1 : i32
        %add3A_166 = arith.addi %scan3A_88, %add3A_165 : i32
        %add3A_167 = arith.constant 1 : i32
        %add3A_168 = arith.addi %scan3A_88, %add3A_167 : i32
        %rem3A_169 = arith.constant 3 : i32
        %rem3A_170 = arith.remsi %add3A_168, %rem3A_169 : i32
        %jit3A_171 = arith.constant 8 : i32
        %div3A_172 = arith.divsi %add3A_166, %jit3A_171 : i32
        %sign3A_173 = arith.constant 0 : i32
        %sign3A_174 = arith.cmpi sgt, %add3A_166, %sign3A_173 : i32
        %sign3A_175 = arith.extui %sign3A_174 : i1 to i32
        %sign3A_176 = arith.constant 0 : i32
        %sign3A_177 = arith.cmpi slt, %add3A_166, %sign3A_176 : i32
        %sign3A_178 = arith.extui %sign3A_177 : i1 to i32
        %sign3A_179 = arith.subi %sign3A_175, %sign3A_178 : i32
        %sign3A_180 = arith.constant 0 : i32
        %sign3A_181 = arith.cmpi sgt, %jit3A_171, %sign3A_180 : i32
        %sign3A_182 = arith.extui %sign3A_181 : i1 to i32
        %sign3A_183 = arith.constant 0 : i32
        %sign3A_184 = arith.cmpi slt, %jit3A_171, %sign3A_183 : i32
        %sign3A_185 = arith.extui %sign3A_184 : i1 to i32
        %sign3A_186 = arith.subi %sign3A_182, %sign3A_185 : i32
        %ne3A_187 = arith.cmpi ne, %sign3A_179, %sign3A_186 : i32
        %rem3A_188 = arith.remsi %add3A_166, %jit3A_171 : i32
        %ne3A_189 = arith.constant 0 : i32
        %ne3A_190 = arith.cmpi ne, %rem3A_188, %ne3A_189 : i32
        %and3A_191 = arith.andi %ne3A_187, %ne3A_190 : i1
        %sub3A_192 = arith.constant 1 : i32
        %sub3A_193 = arith.subi %div3A_172, %sub3A_192 : i32
        %select_n3A_194 = arith.select %and3A_191, %sub3A_193, %div3A_172 : i32
        %rem3A_195 = arith.constant 2 : i32
        %rem3A_196 = arith.remsi %select_n3A_194, %rem3A_195 : i32
        %rem3A_197 = arith.constant 8 : i32
        %rem3A_198 = arith.remsi %add3A_166, %rem3A_197 : i32
        %dma_start3A_199 = arith.constant 0 : i32
        %dma_start3A_200 = arith.constant 0 : i32
        %dma_start3A_201 = tpu.memref_slice %arg6[%rem3A_170, %dma_start3A_199, %dma_start3A_200] : memref<3x128x64xf32, #tpu.memory_space<vmem>> -> memref<1x128x64xf32, #tpu.memory_space<vmem>>
        %dma_start3A_202 = tpu.memref_squeeze %dma_start3A_201 : memref<1x128x64xf32, #tpu.memory_space<vmem>> -> memref<128x64xf32, #tpu.memory_space<vmem>>
        %dma_start3A_203 = arith.constant 0 : i32
        %dma_start3A_204 = tpu.memref_slice %arg5[%rem3A_196, %rem3A_198, %dma_start3A_203] : memref<2x8x128xi32, #tpu.memory_space<vmem>> -> memref<1x1x128xi32, #tpu.memory_space<vmem>>
        %dma_start3A_205 = tpu.memref_squeeze %dma_start3A_204 : memref<1x1x128xi32, #tpu.memory_space<vmem>> -> memref<128xi32, #tpu.memory_space<vmem>>
        %dma_start3A_206 = arith.constant 0 : i32
        %dma_start3A_207 = arith.constant 0 : i32
        %dma_start3A_208 = tpu.memref_slice %arg2[%dma_start3A_206, %dma_start3A_207] : memref<1000000x64xf32, #tpu.memory_space<hbm>> -> memref<1000000x64xf32, #tpu.memory_space<hbm>>
        tpu.enqueue_indirect_dma source(%dma_start3A_208 : memref<1000000x64xf32, #tpu.memory_space<hbm>>) target(%dma_start3A_202 : memref<128x64xf32, #tpu.memory_space<vmem>>) offsets(%dma_start3A_205 : memref<128xi32, #tpu.memory_space<vmem>>) semaphore(%arg8 : memref<!tpu.dma_semaphore, #tpu.memory_space<semaphore_mem>>)
      } else {
      }
      %dma_wait3A_137 = arith.constant 0 : i32
      %dma_wait3A_138 = arith.constant 0 : i32
      %dma_wait3A_139 = arith.constant 0 : i32
      %dma_wait3A_140 = arith.constant 0 : i32
      %dma_wait3A_141 = tpu.memref_slice %arg6[%rem3A_109, %dma_wait3A_139, %dma_wait3A_140] : memref<3x128x64xf32, #tpu.memory_space<vmem>> -> memref<1x128x64xf32, #tpu.memory_space<vmem>>
      %dma_wait3A_142 = tpu.memref_squeeze %dma_wait3A_141 : memref<1x128x64xf32, #tpu.memory_space<vmem>> -> memref<128x64xf32, #tpu.memory_space<vmem>>
      %dma_wait3A_143 = arith.constant 0 : i32
      %dma_wait3A_144 = tpu.memref_slice %arg5[%dma_wait3A_137, %dma_wait3A_138, %dma_wait3A_143] : memref<2x8x128xi32, #tpu.memory_space<vmem>> -> memref<1x1x128xi32, #tpu.memory_space<vmem>>
      %dma_wait3A_145 = tpu.memref_squeeze %dma_wait3A_144 : memref<1x1x128xi32, #tpu.memory_space<vmem>> -> memref<128xi32, #tpu.memory_space<vmem>>
      %dma_wait3A_146 = arith.constant 0 : i32
      %dma_wait3A_147 = arith.constant 0 : i32
      %dma_wait3A_148 = tpu.memref_slice %arg2[%dma_wait3A_146, %dma_wait3A_147] : memref<1000000x64xf32, #tpu.memory_space<hbm>> -> memref<1000000x64xf32, #tpu.memory_space<hbm>>
      tpu.wait_indirect_dma semaphore(%arg8 : memref<!tpu.dma_semaphore, #tpu.memory_space<semaphore_mem>>) src(%dma_wait3A_148 : memref<1000000x64xf32, #tpu.memory_space<hbm>>) dst(%dma_wait3A_142 : memref<128x64xf32, #tpu.memory_space<vmem>>)
      %dma_start3A_149 = arith.constant 0 : i32
      %dma_start3A_150 = arith.constant 0 : i32
      %dma_start3A_151 = tpu.memref_slice %arg6[%rem3A_109, %dma_start3A_149, %dma_start3A_150] : memref<3x128x64xf32, #tpu.memory_space<vmem>> -> memref<1x128x64xf32, #tpu.memory_space<vmem>>
      %dma_start3A_152 = tpu.memref_squeeze %dma_start3A_151 : memref<1x128x64xf32, #tpu.memory_space<vmem>> -> memref<128x64xf32, #tpu.memory_space<vmem>>
      %dma_start3A_153 = arith.constant 0 : i32
      %dma_start3A_154 = arith.constant 0 : i32
      %dma_start3A_155 = tpu.memref_slice %arg4[%scan3A_88, %add3A, %dma_start3A_153, %dma_start3A_154] : memref<200x32x128x64xf32, #tpu.memory_space<hbm>> -> memref<1x1x128x64xf32, #tpu.memory_space<hbm>>
      %dma_start3A_156 = tpu.memref_squeeze %dma_start3A_155 : memref<1x1x128x64xf32, #tpu.memory_space<hbm>> -> memref<128x64xf32, #tpu.memory_space<hbm>>
      %dma_start3A_157 = arith.constant 0 : i32
      %dma_start3A_158 = arith.constant 0 : i32
      %dma_start3A_159 = tpu.memref_slice %arg4[%scan3A_88, %add3A, %dma_start3A_157, %dma_start3A_158] : memref<200x32x128x64xf32, #tpu.memory_space<hbm>> -> memref<1x1x128x64xf32, #tpu.memory_space<hbm>>
      %dma_start3A_160 = tpu.memref_squeeze %dma_start3A_159 : memref<1x1x128x64xf32, #tpu.memory_space<hbm>> -> memref<128x64xf32, #tpu.memory_space<hbm>>
      %dma_start3A_161 = arith.constant 0 : i32
      %dma_start3A_162 = arith.constant 0 : i32
      %dma_start3A_163 = tpu.memref_slice %arg6[%rem3A_109, %dma_start3A_161, %dma_start3A_162] : memref<3x128x64xf32, #tpu.memory_space<vmem>> -> memref<1x128x64xf32, #tpu.memory_space<vmem>>
      %dma_start3A_164 = tpu.memref_squeeze %dma_start3A_163 : memref<1x128x64xf32, #tpu.memory_space<vmem>> -> memref<128x64xf32, #tpu.memory_space<vmem>>
      tpu.enqueue_dma source(%dma_start3A_164 : memref<128x64xf32, #tpu.memory_space<vmem>>) target(%dma_start3A_160 : memref<128x64xf32, #tpu.memory_space<hbm>>) target_semaphore(%arg9 : memref<!tpu.dma_semaphore, #tpu.memory_space<semaphore_mem>>)
    }
    %scan3A_49 = arith.constant 200 : i32
    %dma_wait3A_50 = arith.constant 0 : i32
    %dma_wait3A_51 = arith.constant 0 : i32
    %dma_wait3A_52 = arith.constant 0 : i32
    %dma_wait3A_53 = arith.constant 0 : i32
    %dma_wait3A_54 = arith.constant 0 : i32
    %dma_wait3A_55 = tpu.memref_slice %arg6[%dma_wait3A_50, %dma_wait3A_53, %dma_wait3A_54] : memref<3x128x64xf32, #tpu.memory_space<vmem>> -> memref<1x128x64xf32, #tpu.memory_space<vmem>>
    %dma_wait3A_56 = tpu.memref_squeeze %dma_wait3A_55 : memref<1x128x64xf32, #tpu.memory_space<vmem>> -> memref<128x64xf32, #tpu.memory_space<vmem>>
    %dma_wait3A_57 = arith.constant 0 : i32
    %dma_wait3A_58 = arith.constant 0 : i32
    %dma_wait3A_59 = tpu.memref_slice %arg4[%dma_wait3A_51, %dma_wait3A_52, %dma_wait3A_57, %dma_wait3A_58] : memref<200x32x128x64xf32, #tpu.memory_space<hbm>> -> memref<1x1x128x64xf32, #tpu.memory_space<hbm>>
    %dma_wait3A_60 = tpu.memref_squeeze %dma_wait3A_59 : memref<1x1x128x64xf32, #tpu.memory_space<hbm>> -> memref<128x64xf32, #tpu.memory_space<hbm>>
    %dma_wait3A_61 = arith.constant 0 : i32
    %dma_wait3A_62 = arith.constant 0 : i32
    %dma_wait3A_63 = tpu.memref_slice %arg4[%dma_wait3A_51, %dma_wait3A_52, %dma_wait3A_61, %dma_wait3A_62] : memref<200x32x128x64xf32, #tpu.memory_space<hbm>> -> memref<1x1x128x64xf32, #tpu.memory_space<hbm>>
    %dma_wait3A_64 = tpu.memref_squeeze %dma_wait3A_63 : memref<1x1x128x64xf32, #tpu.memory_space<hbm>> -> memref<128x64xf32, #tpu.memory_space<hbm>>
    %dma_wait3A_65 = arith.constant 0 : i32
    %dma_wait3A_66 = arith.constant 0 : i32
    %dma_wait3A_67 = tpu.memref_slice %arg6[%dma_wait3A_50, %dma_wait3A_65, %dma_wait3A_66] : memref<3x128x64xf32, #tpu.memory_space<vmem>> -> memref<1x128x64xf32, #tpu.memory_space<vmem>>
    %dma_wait3A_68 = tpu.memref_squeeze %dma_wait3A_67 : memref<1x128x64xf32, #tpu.memory_space<vmem>> -> memref<128x64xf32, #tpu.memory_space<vmem>>
    tpu.wait_dma2 semaphore(%arg9 : memref<!tpu.dma_semaphore, #tpu.memory_space<semaphore_mem>>) src(%dma_wait3A_68 : memref<128x64xf32, #tpu.memory_space<vmem>>) dst(%dma_wait3A_64 : memref<128x64xf32, #tpu.memory_space<hbm>>)
    %dma_wait3A_69 = arith.constant 0 : i32
    %dma_wait3A_70 = arith.constant 0 : i32
    %dma_wait3A_71 = arith.constant 0 : i32
    %dma_wait3A_72 = arith.constant 0 : i32
    %dma_wait3A_73 = arith.constant 0 : i32
    %dma_wait3A_74 = tpu.memref_slice %arg6[%dma_wait3A_69, %dma_wait3A_72, %dma_wait3A_73] : memref<3x128x64xf32, #tpu.memory_space<vmem>> -> memref<1x128x64xf32, #tpu.memory_space<vmem>>
    %dma_wait3A_75 = tpu.memref_squeeze %dma_wait3A_74 : memref<1x128x64xf32, #tpu.memory_space<vmem>> -> memref<128x64xf32, #tpu.memory_space<vmem>>
    %dma_wait3A_76 = arith.constant 0 : i32
    %dma_wait3A_77 = arith.constant 0 : i32
    %dma_wait3A_78 = tpu.memref_slice %arg4[%dma_wait3A_70, %dma_wait3A_71, %dma_wait3A_76, %dma_wait3A_77] : memref<200x32x128x64xf32, #tpu.memory_space<hbm>> -> memref<1x1x128x64xf32, #tpu.memory_space<hbm>>
    %dma_wait3A_79 = tpu.memref_squeeze %dma_wait3A_78 : memref<1x1x128x64xf32, #tpu.memory_space<hbm>> -> memref<128x64xf32, #tpu.memory_space<hbm>>
    %dma_wait3A_80 = arith.constant 0 : i32
    %dma_wait3A_81 = arith.constant 0 : i32
    %dma_wait3A_82 = tpu.memref_slice %arg4[%dma_wait3A_70, %dma_wait3A_71, %dma_wait3A_80, %dma_wait3A_81] : memref<200x32x128x64xf32, #tpu.memory_space<hbm>> -> memref<1x1x128x64xf32, #tpu.memory_space<hbm>>
    %dma_wait3A_83 = tpu.memref_squeeze %dma_wait3A_82 : memref<1x1x128x64xf32, #tpu.memory_space<hbm>> -> memref<128x64xf32, #tpu.memory_space<hbm>>
    %dma_wait3A_84 = arith.constant 0 : i32
    %dma_wait3A_85 = arith.constant 0 : i32
    %dma_wait3A_86 = tpu.memref_slice %arg6[%dma_wait3A_69, %dma_wait3A_84, %dma_wait3A_85] : memref<3x128x64xf32, #tpu.memory_space<vmem>> -> memref<1x128x64xf32, #tpu.memory_space<vmem>>
    %dma_wait3A_87 = tpu.memref_squeeze %dma_wait3A_86 : memref<1x128x64xf32, #tpu.memory_space<vmem>> -> memref<128x64xf32, #tpu.memory_space<vmem>>
    tpu.wait_dma2 semaphore(%arg9 : memref<!tpu.dma_semaphore, #tpu.memory_space<semaphore_mem>>) src(%dma_wait3A_87 : memref<128x64xf32, #tpu.memory_space<vmem>>) dst(%dma_wait3A_83 : memref<128x64xf32, #tpu.memory_space<hbm>>)
    return
  }
}

module attributes {stable_mosaic.version = 14 : i64} {
  func.func @tck(%arg0: i32, %arg1: memref<200x64xf32, #tpu.memory_space<vmem>>, %arg2: memref<1x32x128x64xf32, #tpu.memory_space<vmem>>, %arg3: memref<1x8x32x8x128xf32, #tpu.memory_space<vmem>>) attributes {dimension_semantics = [#tpu.dimension_semantics<arbitrary>], iteration_bounds = array<i64: 200>, scalar_prefetch = 0 : i64, scratch_operands = 0 : i64, tpu.core_type = #tpu.core_type<tc>, window_params = [{pipeline_mode = #tpu.pipeline_mode<synchronous>, transform_indices = @transform_0, window_bounds = array<i64: 200, 64>}, {transform_indices = @transform_1, window_bounds = array<i64: 1, 32, 128, 64>}, {transform_indices = @transform_2, window_bounds = array<i64: 1, 8, 32, 8, 128>}]} {
    %get3A = arith.index_cast %arg0 : i32 to index
    %get3A_0 = arith.constant 0 : index
    %get3A_1 = vector.load %arg1[%get3A, %get3A_0] : memref<200x64xf32, #tpu.memory_space<vmem>>, vector<1x64xf32>
    %get3A_2 = vector.shape_cast %get3A_1 : vector<1x64xf32> to vector<64xf32>
    %get3A_3 = arith.constant 0 : index
    %get3A_4 = arith.constant 0 : index
    %get3A_5 = arith.constant 0 : index
    %get3A_6 = arith.constant 0 : index
    %get3A_7 = vector.load %arg2[%get3A_3, %get3A_4, %get3A_5, %get3A_6] : memref<1x32x128x64xf32, #tpu.memory_space<vmem>>, vector<1x1x128x64xf32>
    %get3A_8 = vector.shape_cast %get3A_7 : vector<1x1x128x64xf32> to vector<128x64xf32>
    %broadcast_in_dim3A = vector.shape_cast %get3A_2 : vector<64xf32> to vector<1x64xf32>
    %add3A = vector.broadcast %broadcast_in_dim3A : vector<1x64xf32> to vector<128x64xf32>
    %add3A_9 = arith.addf %get3A_8, %add3A : vector<128x64xf32>
    %transpose3A = tpu.transpose %add3A_9, [1, 0] : vector<128x64xf32> -> vector<64x128xf32>
    %reshape3A = vector.shape_cast %transpose3A : vector<64x128xf32> to vector<8x8x128xf32>
    %swap3A = arith.constant 0 : index
    %swap3A_10 = arith.constant 0 : index
    %swap3A_11 = arith.constant 0 : index
    %swap3A_12 = arith.constant 0 : index
    %swap3A_13 = arith.constant 0 : index
    %swap3A_14 = vector.load %arg3[%swap3A, %swap3A_10, %swap3A_11, %swap3A_12, %swap3A_13] : memref<1x8x32x8x128xf32, #tpu.memory_space<vmem>>, vector<1x8x1x8x128xf32>
    %swap3A_15 = vector.shape_cast %swap3A_14 : vector<1x8x1x8x128xf32> to vector<8x8x128xf32>
    %swap3A_16 = vector.shape_cast %reshape3A : vector<8x8x128xf32> to vector<1x8x1x8x128xf32>
    tpu.vector_store %arg3[%swap3A, %swap3A_10, %swap3A_11, %swap3A_12, %swap3A_13], %swap3A_16 {strides = array<i32>} : memref<1x8x32x8x128xf32, #tpu.memory_space<vmem>>, vector<1x8x1x8x128xf32>,
    %get3A_17 = arith.constant 0 : index
    %get3A_18 = arith.constant 1 : index
    %get3A_19 = arith.constant 0 : index
    %get3A_20 = arith.constant 0 : index
    %get3A_21 = vector.load %arg2[%get3A_17, %get3A_18, %get3A_19, %get3A_20] : memref<1x32x128x64xf32, #tpu.memory_space<vmem>>, vector<1x1x128x64xf32>
    %get3A_22 = vector.shape_cast %get3A_21 : vector<1x1x128x64xf32> to vector<128x64xf32>
    %broadcast_in_dim3A_23 = vector.shape_cast %get3A_2 : vector<64xf32> to vector<1x64xf32>
    %add3A_24 = vector.broadcast %broadcast_in_dim3A_23 : vector<1x64xf32> to vector<128x64xf32>
    %add3A_25 = arith.addf %get3A_22, %add3A_24 : vector<128x64xf32>
    %transpose3A_26 = tpu.transpose %add3A_25, [1, 0] : vector<128x64xf32> -> vector<64x128xf32>
    %reshape3A_27 = vector.shape_cast %transpose3A_26 : vector<64x128xf32> to vector<8x8x128xf32>
    %swap3A_28 = arith.constant 0 : index
    %swap3A_29 = arith.constant 0 : index
    %swap3A_30 = arith.constant 1 : index
    %swap3A_31 = arith.constant 0 : index
    %swap3A_32 = arith.constant 0 : index
    %swap3A_33 = vector.load %arg3[%swap3A_28, %swap3A_29, %swap3A_30, %swap3A_31, %swap3A_32] : memref<1x8x32x8x128xf32, #tpu.memory_space<vmem>>, vector<1x8x1x8x128xf32>
    %swap3A_34 = vector.shape_cast %swap3A_33 : vector<1x8x1x8x128xf32> to vector<8x8x128xf32>
    %swap3A_35 = vector.shape_cast %reshape3A_27 : vector<8x8x128xf32> to vector<1x8x1x8x128xf32>
    tpu.vector_store %arg3[%swap3A_28, %swap3A_29, %swap3A_30, %swap3A_31, %swap3A_32], %swap3A_35 {strides = array<i32>} : memref<1x8x32x8x128xf32, #tpu.memory_space<vmem>>, vector<1x8x1x8x128xf32>,
    %get3A_36 = arith.constant 0 : index
    %get3A_37 = arith.constant 2 : index
    %get3A_38 = arith.constant 0 : index
    %get3A_39 = arith.constant 0 : index
    %get3A_40 = vector.load %arg2[%get3A_36, %get3A_37, %get3A_38, %get3A_39] : memref<1x32x128x64xf32, #tpu.memory_space<vmem>>, vector<1x1x128x64xf32>
    %get3A_41 = vector.shape_cast %get3A_40 : vector<1x1x128x64xf32> to vector<128x64xf32>
    %broadcast_in_dim3A_42 = vector.shape_cast %get3A_2 : vector<64xf32> to vector<1x64xf32>
    %add3A_43 = vector.broadcast %broadcast_in_dim3A_42 : vector<1x64xf32> to vector<128x64xf32>
    %add3A_44 = arith.addf %get3A_41, %add3A_43 : vector<128x64xf32>
    %transpose3A_45 = tpu.transpose %add3A_44, [1, 0] : vector<128x64xf32> -> vector<64x128xf32>
    %reshape3A_46 = vector.shape_cast %transpose3A_45 : vector<64x128xf32> to vector<8x8x128xf32>
    %swap3A_47 = arith.constant 0 : index
    %swap3A_48 = arith.constant 0 : index
    %swap3A_49 = arith.constant 2 : index
    %swap3A_50 = arith.constant 0 : index
    %swap3A_51 = arith.constant 0 : index
    %swap3A_52 = vector.load %arg3[%swap3A_47, %swap3A_48, %swap3A_49, %swap3A_50, %swap3A_51] : memref<1x8x32x8x128xf32, #tpu.memory_space<vmem>>, vector<1x8x1x8x128xf32>
    %swap3A_53 = vector.shape_cast %swap3A_52 : vector<1x8x1x8x128xf32> to vector<8x8x128xf32>
    %swap3A_54 = vector.shape_cast %reshape3A_46 : vector<8x8x128xf32> to vector<1x8x1x8x128xf32>
    tpu.vector_store %arg3[%swap3A_47, %swap3A_48, %swap3A_49, %swap3A_50, %swap3A_51], %swap3A_54 {strides = array<i32>} : memref<1x8x32x8x128xf32, #tpu.memory_space<vmem>>, vector<1x8x1x8x128xf32>,
    %get3A_55 = arith.constant 0 : index
    %get3A_56 = arith.constant 3 : index
    %get3A_57 = arith.constant 0 : index
    %get3A_58 = arith.constant 0 : index
    %get3A_59 = vector.load %arg2[%get3A_55, %get3A_56, %get3A_57, %get3A_58] : memref<1x32x128x64xf32, #tpu.memory_space<vmem>>, vector<1x1x128x64xf32>
    %get3A_60 = vector.shape_cast %get3A_59 : vector<1x1x128x64xf32> to vector<128x64xf32>
    %broadcast_in_dim3A_61 = vector.shape_cast %get3A_2 : vector<64xf32> to vector<1x64xf32>
    %add3A_62 = vector.broadcast %broadcast_in_dim3A_61 : vector<1x64xf32> to vector<128x64xf32>
    %add3A_63 = arith.addf %get3A_60, %add3A_62 : vector<128x64xf32>
    %transpose3A_64 = tpu.transpose %add3A_63, [1, 0] : vector<128x64xf32> -> vector<64x128xf32>
    %reshape3A_65 = vector.shape_cast %transpose3A_64 : vector<64x128xf32> to vector<8x8x128xf32>
    %swap3A_66 = arith.constant 0 : index
    %swap3A_67 = arith.constant 0 : index
    %swap3A_68 = arith.constant 3 : index
    %swap3A_69 = arith.constant 0 : index
    %swap3A_70 = arith.constant 0 : index
    %swap3A_71 = vector.load %arg3[%swap3A_66, %swap3A_67, %swap3A_68, %swap3A_69, %swap3A_70] : memref<1x8x32x8x128xf32, #tpu.memory_space<vmem>>, vector<1x8x1x8x128xf32>
    %swap3A_72 = vector.shape_cast %swap3A_71 : vector<1x8x1x8x128xf32> to vector<8x8x128xf32>
    %swap3A_73 = vector.shape_cast %reshape3A_65 : vector<8x8x128xf32> to vector<1x8x1x8x128xf32>
    tpu.vector_store %arg3[%swap3A_66, %swap3A_67, %swap3A_68, %swap3A_69, %swap3A_70], %swap3A_73 {strides = array<i32>} : memref<1x8x32x8x128xf32, #tpu.memory_space<vmem>>, vector<1x8x1x8x128xf32>,
    %get3A_74 = arith.constant 0 : index
    %get3A_75 = arith.constant 4 : index
    %get3A_76 = arith.constant 0 : index
    %get3A_77 = arith.constant 0 : index
    %get3A_78 = vector.load %arg2[%get3A_74, %get3A_75, %get3A_76, %get3A_77] : memref<1x32x128x64xf32, #tpu.memory_space<vmem>>, vector<1x1x128x64xf32>
    %get3A_79 = vector.shape_cast %get3A_78 : vector<1x1x128x64xf32> to vector<128x64xf32>
    %broadcast_in_dim3A_80 = vector.shape_cast %get3A_2 : vector<64xf32> to vector<1x64xf32>
    %add3A_81 = vector.broadcast %broadcast_in_dim3A_80 : vector<1x64xf32> to vector<128x64xf32>
    %add3A_82 = arith.addf %get3A_79, %add3A_81 : vector<128x64xf32>
    %transpose3A_83 = tpu.transpose %add3A_82, [1, 0] : vector<128x64xf32> -> vector<64x128xf32>
    %reshape3A_84 = vector.shape_cast %transpose3A_83 : vector<64x128xf32> to vector<8x8x128xf32>
    %swap3A_85 = arith.constant 0 : index
    %swap3A_86 = arith.constant 0 : index
    %swap3A_87 = arith.constant 4 : index
    %swap3A_88 = arith.constant 0 : index
    %swap3A_89 = arith.constant 0 : index
    %swap3A_90 = vector.load %arg3[%swap3A_85, %swap3A_86, %swap3A_87, %swap3A_88, %swap3A_89] : memref<1x8x32x8x128xf32, #tpu.memory_space<vmem>>, vector<1x8x1x8x128xf32>
    %swap3A_91 = vector.shape_cast %swap3A_90 : vector<1x8x1x8x128xf32> to vector<8x8x128xf32>
    %swap3A_92 = vector.shape_cast %reshape3A_84 : vector<8x8x128xf32> to vector<1x8x1x8x128xf32>
    tpu.vector_store %arg3[%swap3A_85, %swap3A_86, %swap3A_87, %swap3A_88, %swap3A_89], %swap3A_92 {strides = array<i32>} : memref<1x8x32x8x128xf32, #tpu.memory_space<vmem>>, vector<1x8x1x8x128xf32>,
    %get3A_93 = arith.constant 0 : index
    %get3A_94 = arith.constant 5 : index
    %get3A_95 = arith.constant 0 : index
    %get3A_96 = arith.constant 0 : index
    %get3A_97 = vector.load %arg2[%get3A_93, %get3A_94, %get3A_95, %get3A_96] : memref<1x32x128x64xf32, #tpu.memory_space<vmem>>, vector<1x1x128x64xf32>
    %get3A_98 = vector.shape_cast %get3A_97 : vector<1x1x128x64xf32> to vector<128x64xf32>
    %broadcast_in_dim3A_99 = vector.shape_cast %get3A_2 : vector<64xf32> to vector<1x64xf32>
    %add3A_100 = vector.broadcast %broadcast_in_dim3A_99 : vector<1x64xf32> to vector<128x64xf32>
    %add3A_101 = arith.addf %get3A_98, %add3A_100 : vector<128x64xf32>
    %transpose3A_102 = tpu.transpose %add3A_101, [1, 0] : vector<128x64xf32> -> vector<64x128xf32>
    %reshape3A_103 = vector.shape_cast %transpose3A_102 : vector<64x128xf32> to vector<8x8x128xf32>
    %swap3A_104 = arith.constant 0 : index
    %swap3A_105 = arith.constant 0 : index
    %swap3A_106 = arith.constant 5 : index
    %swap3A_107 = arith.constant 0 : index
    %swap3A_108 = arith.constant 0 : index
    %swap3A_109 = vector.load %arg3[%swap3A_104, %swap3A_105, %swap3A_106, %swap3A_107, %swap3A_108] : memref<1x8x32x8x128xf32, #tpu.memory_space<vmem>>, vector<1x8x1x8x128xf32>
    %swap3A_110 = vector.shape_cast %swap3A_109 : vector<1x8x1x8x128xf32> to vector<8x8x128xf32>
    %swap3A_111 = vector.shape_cast %reshape3A_103 : vector<8x8x128xf32> to vector<1x8x1x8x128xf32>
    tpu.vector_store %arg3[%swap3A_104, %swap3A_105, %swap3A_106, %swap3A_107, %swap3A_108], %swap3A_111 {strides = array<i32>} : memref<1x8x32x8x128xf32, #tpu.memory_space<vmem>>, vector<1x8x1x8x128xf32>,
    %get3A_112 = arith.constant 0 : index
    %get3A_113 = arith.constant 6 : index
    %get3A_114 = arith.constant 0 : index
    %get3A_115 = arith.constant 0 : index
    %get3A_116 = vector.load %arg2[%get3A_112, %get3A_113, %get3A_114, %get3A_115] : memref<1x32x128x64xf32, #tpu.memory_space<vmem>>, vector<1x1x128x64xf32>
    %get3A_117 = vector.shape_cast %get3A_116 : vector<1x1x128x64xf32> to vector<128x64xf32>
    %broadcast_in_dim3A_118 = vector.shape_cast %get3A_2 : vector<64xf32> to vector<1x64xf32>
    %add3A_119 = vector.broadcast %broadcast_in_dim3A_118 : vector<1x64xf32> to vector<128x64xf32>
    %add3A_120 = arith.addf %get3A_117, %add3A_119 : vector<128x64xf32>
    %transpose3A_121 = tpu.transpose %add3A_120, [1, 0] : vector<128x64xf32> -> vector<64x128xf32>
    %reshape3A_122 = vector.shape_cast %transpose3A_121 : vector<64x128xf32> to vector<8x8x128xf32>
    %swap3A_123 = arith.constant 0 : index
    %swap3A_124 = arith.constant 0 : index
    %swap3A_125 = arith.constant 6 : index
    %swap3A_126 = arith.constant 0 : index
    %swap3A_127 = arith.constant 0 : index
    %swap3A_128 = vector.load %arg3[%swap3A_123, %swap3A_124, %swap3A_125, %swap3A_126, %swap3A_127] : memref<1x8x32x8x128xf32, #tpu.memory_space<vmem>>, vector<1x8x1x8x128xf32>
    %swap3A_129 = vector.shape_cast %swap3A_128 : vector<1x8x1x8x128xf32> to vector<8x8x128xf32>
    %swap3A_130 = vector.shape_cast %reshape3A_122 : vector<8x8x128xf32> to vector<1x8x1x8x128xf32>
    tpu.vector_store %arg3[%swap3A_123, %swap3A_124, %swap3A_125, %swap3A_126, %swap3A_127], %swap3A_130 {strides = array<i32>} : memref<1x8x32x8x128xf32, #tpu.memory_space<vmem>>, vector<1x8x1x8x128xf32>,
    %get3A_131 = arith.constant 0 : index
    %get3A_132 = arith.constant 7 : index
    %get3A_133 = arith.constant 0 : index
    %get3A_134 = arith.constant 0 : index
    %get3A_135 = vector.load %arg2[%get3A_131, %get3A_132, %get3A_133, %get3A_134] : memref<1x32x128x64xf32, #tpu.memory_space<vmem>>, vector<1x1x128x64xf32>
    %get3A_136 = vector.shape_cast %get3A_135 : vector<1x1x128x64xf32> to vector<128x64xf32>
    %broadcast_in_dim3A_137 = vector.shape_cast %get3A_2 : vector<64xf32> to vector<1x64xf32>
    %add3A_138 = vector.broadcast %broadcast_in_dim3A_137 : vector<1x64xf32> to vector<128x64xf32>
    %add3A_139 = arith.addf %get3A_136, %add3A_138 : vector<128x64xf32>
    %transpose3A_140 = tpu.transpose %add3A_139, [1, 0] : vector<128x64xf32> -> vector<64x128xf32>
    %reshape3A_141 = vector.shape_cast %transpose3A_140 : vector<64x128xf32> to vector<8x8x128xf32>
    %swap3A_142 = arith.constant 0 : index
    %swap3A_143 = arith.constant 0 : index
    %swap3A_144 = arith.constant 7 : index
    %swap3A_145 = arith.constant 0 : index
    %swap3A_146 = arith.constant 0 : index
    %swap3A_147 = vector.load %arg3[%swap3A_142, %swap3A_143, %swap3A_144, %swap3A_145, %swap3A_146] : memref<1x8x32x8x128xf32, #tpu.memory_space<vmem>>, vector<1x8x1x8x128xf32>
    %swap3A_148 = vector.shape_cast %swap3A_147 : vector<1x8x1x8x128xf32> to vector<8x8x128xf32>
    %swap3A_149 = vector.shape_cast %reshape3A_141 : vector<8x8x128xf32> to vector<1x8x1x8x128xf32>
    tpu.vector_store %arg3[%swap3A_142, %swap3A_143, %swap3A_144, %swap3A_145, %swap3A_146], %swap3A_149 {strides = array<i32>} : memref<1x8x32x8x128xf32, #tpu.memory_space<vmem>>, vector<1x8x1x8x128xf32>,
    %get3A_150 = arith.constant 0 : index
    %get3A_151 = arith.constant 8 : index
    %get3A_152 = arith.constant 0 : index
    %get3A_153 = arith.constant 0 : index
    %get3A_154 = vector.load %arg2[%get3A_150, %get3A_151, %get3A_152, %get3A_153] : memref<1x32x128x64xf32, #tpu.memory_space<vmem>>, vector<1x1x128x64xf32>
    %get3A_155 = vector.shape_cast %get3A_154 : vector<1x1x128x64xf32> to vector<128x64xf32>
    %broadcast_in_dim3A_156 = vector.shape_cast %get3A_2 : vector<64xf32> to vector<1x64xf32>
    %add3A_157 = vector.broadcast %broadcast_in_dim3A_156 : vector<1x64xf32> to vector<128x64xf32>
    %add3A_158 = arith.addf %get3A_155, %add3A_157 : vector<128x64xf32>
    %transpose3A_159 = tpu.transpose %add3A_158, [1, 0] : vector<128x64xf32> -> vector<64x128xf32>
    %reshape3A_160 = vector.shape_cast %transpose3A_159 : vector<64x128xf32> to vector<8x8x128xf32>
    %swap3A_161 = arith.constant 0 : index
    %swap3A_162 = arith.constant 0 : index
    %swap3A_163 = arith.constant 8 : index
    %swap3A_164 = arith.constant 0 : index
    %swap3A_165 = arith.constant 0 : index
    %swap3A_166 = vector.load %arg3[%swap3A_161, %swap3A_162, %swap3A_163, %swap3A_164, %swap3A_165] : memref<1x8x32x8x128xf32, #tpu.memory_space<vmem>>, vector<1x8x1x8x128xf32>
    %swap3A_167 = vector.shape_cast %swap3A_166 : vector<1x8x1x8x128xf32> to vector<8x8x128xf32>
    %swap3A_168 = vector.shape_cast %reshape3A_160 : vector<8x8x128xf32> to vector<1x8x1x8x128xf32>
    tpu.vector_store %arg3[%swap3A_161, %swap3A_162, %swap3A_163, %swap3A_164, %swap3A_165], %swap3A_168 {strides = array<i32>} : memref<1x8x32x8x128xf32, #tpu.memory_space<vmem>>, vector<1x8x1x8x128xf32>,
    %get3A_169 = arith.constant 0 : index
    %get3A_170 = arith.constant 9 : index
    %get3A_171 = arith.constant 0 : index
    %get3A_172 = arith.constant 0 : index
    %get3A_173 = vector.load %arg2[%get3A_169, %get3A_170, %get3A_171, %get3A_172] : memref<1x32x128x64xf32, #tpu.memory_space<vmem>>, vector<1x1x128x64xf32>
    %get3A_174 = vector.shape_cast %get3A_173 : vector<1x1x128x64xf32> to vector<128x64xf32>
    %broadcast_in_dim3A_175 = vector.shape_cast %get3A_2 : vector<64xf32> to vector<1x64xf32>
    %add3A_176 = vector.broadcast %broadcast_in_dim3A_175 : vector<1x64xf32> to vector<128x64xf32>
    %add3A_177 = arith.addf %get3A_174, %add3A_176 : vector<128x64xf32>
    %transpose3A_178 = tpu.transpose %add3A_177, [1, 0] : vector<128x64xf32> -> vector<64x128xf32>
    %reshape3A_179 = vector.shape_cast %transpose3A_178 : vector<64x128xf32> to vector<8x8x128xf32>
    %swap3A_180 = arith.constant 0 : index
    %swap3A_181 = arith.constant 0 : index
    %swap3A_182 = arith.constant 9 : index
    %swap3A_183 = arith.constant 0 : index
    %swap3A_184 = arith.constant 0 : index
    %swap3A_185 = vector.load %arg3[%swap3A_180, %swap3A_181, %swap3A_182, %swap3A_183, %swap3A_184] : memref<1x8x32x8x128xf32, #tpu.memory_space<vmem>>, vector<1x8x1x8x128xf32>
    %swap3A_186 = vector.shape_cast %swap3A_185 : vector<1x8x1x8x128xf32> to vector<8x8x128xf32>
    %swap3A_187 = vector.shape_cast %reshape3A_179 : vector<8x8x128xf32> to vector<1x8x1x8x128xf32>
    tpu.vector_store %arg3[%swap3A_180, %swap3A_181, %swap3A_182, %swap3A_183, %swap3A_184], %swap3A_187 {strides = array<i32>} : memref<1x8x32x8x128xf32, #tpu.memory_space<vmem>>, vector<1x8x1x8x128xf32>,
    %get3A_188 = arith.constant 0 : index
    %get3A_189 = arith.constant 10 : index
    %get3A_190 = arith.constant 0 : index
    %get3A_191 = arith.constant 0 : index
    %get3A_192 = vector.load %arg2[%get3A_188, %get3A_189, %get3A_190, %get3A_191] : memref<1x32x128x64xf32, #tpu.memory_space<vmem>>, vector<1x1x128x64xf32>
    %get3A_193 = vector.shape_cast %get3A_192 : vector<1x1x128x64xf32> to vector<128x64xf32>
    %broadcast_in_dim3A_194 = vector.shape_cast %get3A_2 : vector<64xf32> to vector<1x64xf32>
    %add3A_195 = vector.broadcast %broadcast_in_dim3A_194 : vector<1x64xf32> to vector<128x64xf32>
    %add3A_196 = arith.addf %get3A_193, %add3A_195 : vector<128x64xf32>
    %transpose3A_197 = tpu.transpose %add3A_196, [1, 0] : vector<128x64xf32> -> vector<64x128xf32>
    %reshape3A_198 = vector.shape_cast %transpose3A_197 : vector<64x128xf32> to vector<8x8x128xf32>
    %swap3A_199 = arith.constant 0 : index
    %swap3A_200 = arith.constant 0 : index
    %swap3A_201 = arith.constant 10 : index
    %swap3A_202 = arith.constant 0 : index
    %swap3A_203 = arith.constant 0 : index
    %swap3A_204 = vector.load %arg3[%swap3A_199, %swap3A_200, %swap3A_201, %swap3A_202, %swap3A_203] : memref<1x8x32x8x128xf32, #tpu.memory_space<vmem>>, vector<1x8x1x8x128xf32>
    %swap3A_205 = vector.shape_cast %swap3A_204 : vector<1x8x1x8x128xf32> to vector<8x8x128xf32>
    %swap3A_206 = vector.shape_cast %reshape3A_198 : vector<8x8x128xf32> to vector<1x8x1x8x128xf32>
    tpu.vector_store %arg3[%swap3A_199, %swap3A_200, %swap3A_201, %swap3A_202, %swap3A_203], %swap3A_206 {strides = array<i32>} : memref<1x8x32x8x128xf32, #tpu.memory_space<vmem>>, vector<1x8x1x8x128xf32>,
    %get3A_207 = arith.constant 0 : index
    %get3A_208 = arith.constant 11 : index
    %get3A_209 = arith.constant 0 : index
    %get3A_210 = arith.constant 0 : index
    %get3A_211 = vector.load %arg2[%get3A_207, %get3A_208, %get3A_209, %get3A_210] : memref<1x32x128x64xf32, #tpu.memory_space<vmem>>, vector<1x1x128x64xf32>
    %get3A_212 = vector.shape_cast %get3A_211 : vector<1x1x128x64xf32> to vector<128x64xf32>
    %broadcast_in_dim3A_213 = vector.shape_cast %get3A_2 : vector<64xf32> to vector<1x64xf32>
    %add3A_214 = vector.broadcast %broadcast_in_dim3A_213 : vector<1x64xf32> to vector<128x64xf32>
    %add3A_215 = arith.addf %get3A_212, %add3A_214 : vector<128x64xf32>
    %transpose3A_216 = tpu.transpose %add3A_215, [1, 0] : vector<128x64xf32> -> vector<64x128xf32>
    %reshape3A_217 = vector.shape_cast %transpose3A_216 : vector<64x128xf32> to vector<8x8x128xf32>
    %swap3A_218 = arith.constant 0 : index
    %swap3A_219 = arith.constant 0 : index
    %swap3A_220 = arith.constant 11 : index
    %swap3A_221 = arith.constant 0 : index
    %swap3A_222 = arith.constant 0 : index
    %swap3A_223 = vector.load %arg3[%swap3A_218, %swap3A_219, %swap3A_220, %swap3A_221, %swap3A_222] : memref<1x8x32x8x128xf32, #tpu.memory_space<vmem>>, vector<1x8x1x8x128xf32>
    %swap3A_224 = vector.shape_cast %swap3A_223 : vector<1x8x1x8x128xf32> to vector<8x8x128xf32>
    %swap3A_225 = vector.shape_cast %reshape3A_217 : vector<8x8x128xf32> to vector<1x8x1x8x128xf32>
    tpu.vector_store %arg3[%swap3A_218, %swap3A_219, %swap3A_220, %swap3A_221, %swap3A_222], %swap3A_225 {strides = array<i32>} : memref<1x8x32x8x128xf32, #tpu.memory_space<vmem>>, vector<1x8x1x8x128xf32>,
    %get3A_226 = arith.constant 0 : index
    %get3A_227 = arith.constant 12 : index
    %get3A_228 = arith.constant 0 : index
    %get3A_229 = arith.constant 0 : index
    %get3A_230 = vector.load %arg2[%get3A_226, %get3A_227, %get3A_228, %get3A_229] : memref<1x32x128x64xf32, #tpu.memory_space<vmem>>, vector<1x1x128x64xf32>
    %get3A_231 = vector.shape_cast %get3A_230 : vector<1x1x128x64xf32> to vector<128x64xf32>
    %broadcast_in_dim3A_232 = vector.shape_cast %get3A_2 : vector<64xf32> to vector<1x64xf32>
    %add3A_233 = vector.broadcast %broadcast_in_dim3A_232 : vector<1x64xf32> to vector<128x64xf32>
    %add3A_234 = arith.addf %get3A_231, %add3A_233 : vector<128x64xf32>
    %transpose3A_235 = tpu.transpose %add3A_234, [1, 0] : vector<128x64xf32> -> vector<64x128xf32>
    %reshape3A_236 = vector.shape_cast %transpose3A_235 : vector<64x128xf32> to vector<8x8x128xf32>
    %swap3A_237 = arith.constant 0 : index
    %swap3A_238 = arith.constant 0 : index
    %swap3A_239 = arith.constant 12 : index
    %swap3A_240 = arith.constant 0 : index
    %swap3A_241 = arith.constant 0 : index
    %swap3A_242 = vector.load %arg3[%swap3A_237, %swap3A_238, %swap3A_239, %swap3A_240, %swap3A_241] : memref<1x8x32x8x128xf32, #tpu.memory_space<vmem>>, vector<1x8x1x8x128xf32>
    %swap3A_243 = vector.shape_cast %swap3A_242 : vector<1x8x1x8x128xf32> to vector<8x8x128xf32>
    %swap3A_244 = vector.shape_cast %reshape3A_236 : vector<8x8x128xf32> to vector<1x8x1x8x128xf32>
    tpu.vector_store %arg3[%swap3A_237, %swap3A_238, %swap3A_239, %swap3A_240, %swap3A_241], %swap3A_244 {strides = array<i32>} : memref<1x8x32x8x128xf32, #tpu.memory_space<vmem>>, vector<1x8x1x8x128xf32>,
    %get3A_245 = arith.constant 0 : index
    %get3A_246 = arith.constant 13 : index
    %get3A_247 = arith.constant 0 : index
    %get3A_248 = arith.constant 0 : index
    %get3A_249 = vector.load %arg2[%get3A_245, %get3A_246, %get3A_247, %get3A_248] : memref<1x32x128x64xf32, #tpu.memory_space<vmem>>, vector<1x1x128x64xf32>
    %get3A_250 = vector.shape_cast %get3A_249 : vector<1x1x128x64xf32> to vector<128x64xf32>
    %broadcast_in_dim3A_251 = vector.shape_cast %get3A_2 : vector<64xf32> to vector<1x64xf32>
    %add3A_252 = vector.broadcast %broadcast_in_dim3A_251 : vector<1x64xf32> to vector<128x64xf32>
    %add3A_253 = arith.addf %get3A_250, %add3A_252 : vector<128x64xf32>
    %transpose3A_254 = tpu.transpose %add3A_253, [1, 0] : vector<128x64xf32> -> vector<64x128xf32>
    %reshape3A_255 = vector.shape_cast %transpose3A_254 : vector<64x128xf32> to vector<8x8x128xf32>
    %swap3A_256 = arith.constant 0 : index
    %swap3A_257 = arith.constant 0 : index
    %swap3A_258 = arith.constant 13 : index
    %swap3A_259 = arith.constant 0 : index
    %swap3A_260 = arith.constant 0 : index
    %swap3A_261 = vector.load %arg3[%swap3A_256, %swap3A_257, %swap3A_258, %swap3A_259, %swap3A_260] : memref<1x8x32x8x128xf32, #tpu.memory_space<vmem>>, vector<1x8x1x8x128xf32>
    %swap3A_262 = vector.shape_cast %swap3A_261 : vector<1x8x1x8x128xf32> to vector<8x8x128xf32>
    %swap3A_263 = vector.shape_cast %reshape3A_255 : vector<8x8x128xf32> to vector<1x8x1x8x128xf32>
    tpu.vector_store %arg3[%swap3A_256, %swap3A_257, %swap3A_258, %swap3A_259, %swap3A_260], %swap3A_263 {strides = array<i32>} : memref<1x8x32x8x128xf32, #tpu.memory_space<vmem>>, vector<1x8x1x8x128xf32>,
    %get3A_264 = arith.constant 0 : index
    %get3A_265 = arith.constant 14 : index
    %get3A_266 = arith.constant 0 : index
    %get3A_267 = arith.constant 0 : index
    %get3A_268 = vector.load %arg2[%get3A_264, %get3A_265, %get3A_266, %get3A_267] : memref<1x32x128x64xf32, #tpu.memory_space<vmem>>, vector<1x1x128x64xf32>
    %get3A_269 = vector.shape_cast %get3A_268 : vector<1x1x128x64xf32> to vector<128x64xf32>
    %broadcast_in_dim3A_270 = vector.shape_cast %get3A_2 : vector<64xf32> to vector<1x64xf32>
    %add3A_271 = vector.broadcast %broadcast_in_dim3A_270 : vector<1x64xf32> to vector<128x64xf32>
    %add3A_272 = arith.addf %get3A_269, %add3A_271 : vector<128x64xf32>
    %transpose3A_273 = tpu.transpose %add3A_272, [1, 0] : vector<128x64xf32> -> vector<64x128xf32>
    %reshape3A_274 = vector.shape_cast %transpose3A_273 : vector<64x128xf32> to vector<8x8x128xf32>
    %swap3A_275 = arith.constant 0 : index
    %swap3A_276 = arith.constant 0 : index
    %swap3A_277 = arith.constant 14 : index
    %swap3A_278 = arith.constant 0 : index
    %swap3A_279 = arith.constant 0 : index
    %swap3A_280 = vector.load %arg3[%swap3A_275, %swap3A_276, %swap3A_277, %swap3A_278, %swap3A_279] : memref<1x8x32x8x128xf32, #tpu.memory_space<vmem>>, vector<1x8x1x8x128xf32>
    %swap3A_281 = vector.shape_cast %swap3A_280 : vector<1x8x1x8x128xf32> to vector<8x8x128xf32>
    %swap3A_282 = vector.shape_cast %reshape3A_274 : vector<8x8x128xf32> to vector<1x8x1x8x128xf32>
    tpu.vector_store %arg3[%swap3A_275, %swap3A_276, %swap3A_277, %swap3A_278, %swap3A_279], %swap3A_282 {strides = array<i32>} : memref<1x8x32x8x128xf32, #tpu.memory_space<vmem>>, vector<1x8x1x8x128xf32>,
    %get3A_283 = arith.constant 0 : index
    %get3A_284 = arith.constant 15 : index
    %get3A_285 = arith.constant 0 : index
    %get3A_286 = arith.constant 0 : index
    %get3A_287 = vector.load %arg2[%get3A_283, %get3A_284, %get3A_285, %get3A_286] : memref<1x32x128x64xf32, #tpu.memory_space<vmem>>, vector<1x1x128x64xf32>
    %get3A_288 = vector.shape_cast %get3A_287 : vector<1x1x128x64xf32> to vector<128x64xf32>
    %broadcast_in_dim3A_289 = vector.shape_cast %get3A_2 : vector<64xf32> to vector<1x64xf32>
    %add3A_290 = vector.broadcast %broadcast_in_dim3A_289 : vector<1x64xf32> to vector<128x64xf32>
    %add3A_291 = arith.addf %get3A_288, %add3A_290 : vector<128x64xf32>
    %transpose3A_292 = tpu.transpose %add3A_291, [1, 0] : vector<128x64xf32> -> vector<64x128xf32>
    %reshape3A_293 = vector.shape_cast %transpose3A_292 : vector<64x128xf32> to vector<8x8x128xf32>
    %swap3A_294 = arith.constant 0 : index
    %swap3A_295 = arith.constant 0 : index
    %swap3A_296 = arith.constant 15 : index
    %swap3A_297 = arith.constant 0 : index
    %swap3A_298 = arith.constant 0 : index
    %swap3A_299 = vector.load %arg3[%swap3A_294, %swap3A_295, %swap3A_296, %swap3A_297, %swap3A_298] : memref<1x8x32x8x128xf32, #tpu.memory_space<vmem>>, vector<1x8x1x8x128xf32>
    %swap3A_300 = vector.shape_cast %swap3A_299 : vector<1x8x1x8x128xf32> to vector<8x8x128xf32>
    %swap3A_301 = vector.shape_cast %reshape3A_293 : vector<8x8x128xf32> to vector<1x8x1x8x128xf32>
    tpu.vector_store %arg3[%swap3A_294, %swap3A_295, %swap3A_296, %swap3A_297, %swap3A_298], %swap3A_301 {strides = array<i32>} : memref<1x8x32x8x128xf32, #tpu.memory_space<vmem>>, vector<1x8x1x8x128xf32>,
    %get3A_302 = arith.constant 0 : index
    %get3A_303 = arith.constant 16 : index
    %get3A_304 = arith.constant 0 : index
    %get3A_305 = arith.constant 0 : index
    %get3A_306 = vector.load %arg2[%get3A_302, %get3A_303, %get3A_304, %get3A_305] : memref<1x32x128x64xf32, #tpu.memory_space<vmem>>, vector<1x1x128x64xf32>
    %get3A_307 = vector.shape_cast %get3A_306 : vector<1x1x128x64xf32> to vector<128x64xf32>
    %broadcast_in_dim3A_308 = vector.shape_cast %get3A_2 : vector<64xf32> to vector<1x64xf32>
    %add3A_309 = vector.broadcast %broadcast_in_dim3A_308 : vector<1x64xf32> to vector<128x64xf32>
    %add3A_310 = arith.addf %get3A_307, %add3A_309 : vector<128x64xf32>
    %transpose3A_311 = tpu.transpose %add3A_310, [1, 0] : vector<128x64xf32> -> vector<64x128xf32>
    %reshape3A_312 = vector.shape_cast %transpose3A_311 : vector<64x128xf32> to vector<8x8x128xf32>
    %swap3A_313 = arith.constant 0 : index
    %swap3A_314 = arith.constant 0 : index
    %swap3A_315 = arith.constant 16 : index
    %swap3A_316 = arith.constant 0 : index
    %swap3A_317 = arith.constant 0 : index
    %swap3A_318 = vector.load %arg3[%swap3A_313, %swap3A_314, %swap3A_315, %swap3A_316, %swap3A_317] : memref<1x8x32x8x128xf32, #tpu.memory_space<vmem>>, vector<1x8x1x8x128xf32>
    %swap3A_319 = vector.shape_cast %swap3A_318 : vector<1x8x1x8x128xf32> to vector<8x8x128xf32>
    %swap3A_320 = vector.shape_cast %reshape3A_312 : vector<8x8x128xf32> to vector<1x8x1x8x128xf32>
    tpu.vector_store %arg3[%swap3A_313, %swap3A_314, %swap3A_315, %swap3A_316, %swap3A_317], %swap3A_320 {strides = array<i32>} : memref<1x8x32x8x128xf32, #tpu.memory_space<vmem>>, vector<1x8x1x8x128xf32>,
    %get3A_321 = arith.constant 0 : index
    %get3A_322 = arith.constant 17 : index
    %get3A_323 = arith.constant 0 : index
    %get3A_324 = arith.constant 0 : index
    %get3A_325 = vector.load %arg2[%get3A_321, %get3A_322, %get3A_323, %get3A_324] : memref<1x32x128x64xf32, #tpu.memory_space<vmem>>, vector<1x1x128x64xf32>
    %get3A_326 = vector.shape_cast %get3A_325 : vector<1x1x128x64xf32> to vector<128x64xf32>
    %broadcast_in_dim3A_327 = vector.shape_cast %get3A_2 : vector<64xf32> to vector<1x64xf32>
    %add3A_328 = vector.broadcast %broadcast_in_dim3A_327 : vector<1x64xf32> to vector<128x64xf32>
    %add3A_329 = arith.addf %get3A_326, %add3A_328 : vector<128x64xf32>
    %transpose3A_330 = tpu.transpose %add3A_329, [1, 0] : vector<128x64xf32> -> vector<64x128xf32>
    %reshape3A_331 = vector.shape_cast %transpose3A_330 : vector<64x128xf32> to vector<8x8x128xf32>
    %swap3A_332 = arith.constant 0 : index
    %swap3A_333 = arith.constant 0 : index
    %swap3A_334 = arith.constant 17 : index
    %swap3A_335 = arith.constant 0 : index
    %swap3A_336 = arith.constant 0 : index
    %swap3A_337 = vector.load %arg3[%swap3A_332, %swap3A_333, %swap3A_334, %swap3A_335, %swap3A_336] : memref<1x8x32x8x128xf32, #tpu.memory_space<vmem>>, vector<1x8x1x8x128xf32>
    %swap3A_338 = vector.shape_cast %swap3A_337 : vector<1x8x1x8x128xf32> to vector<8x8x128xf32>
    %swap3A_339 = vector.shape_cast %reshape3A_331 : vector<8x8x128xf32> to vector<1x8x1x8x128xf32>
    tpu.vector_store %arg3[%swap3A_332, %swap3A_333, %swap3A_334, %swap3A_335, %swap3A_336], %swap3A_339 {strides = array<i32>} : memref<1x8x32x8x128xf32, #tpu.memory_space<vmem>>, vector<1x8x1x8x128xf32>,
    %get3A_340 = arith.constant 0 : index
    %get3A_341 = arith.constant 18 : index
    %get3A_342 = arith.constant 0 : index
    %get3A_343 = arith.constant 0 : index
    %get3A_344 = vector.load %arg2[%get3A_340, %get3A_341, %get3A_342, %get3A_343] : memref<1x32x128x64xf32, #tpu.memory_space<vmem>>, vector<1x1x128x64xf32>
    %get3A_345 = vector.shape_cast %get3A_344 : vector<1x1x128x64xf32> to vector<128x64xf32>
    %broadcast_in_dim3A_346 = vector.shape_cast %get3A_2 : vector<64xf32> to vector<1x64xf32>
    %add3A_347 = vector.broadcast %broadcast_in_dim3A_346 : vector<1x64xf32> to vector<128x64xf32>
    %add3A_348 = arith.addf %get3A_345, %add3A_347 : vector<128x64xf32>
    %transpose3A_349 = tpu.transpose %add3A_348, [1, 0] : vector<128x64xf32> -> vector<64x128xf32>
    %reshape3A_350 = vector.shape_cast %transpose3A_349 : vector<64x128xf32> to vector<8x8x128xf32>
    %swap3A_351 = arith.constant 0 : index
    %swap3A_352 = arith.constant 0 : index
    %swap3A_353 = arith.constant 18 : index
    %swap3A_354 = arith.constant 0 : index
    %swap3A_355 = arith.constant 0 : index
    %swap3A_356 = vector.load %arg3[%swap3A_351, %swap3A_352, %swap3A_353, %swap3A_354, %swap3A_355] : memref<1x8x32x8x128xf32, #tpu.memory_space<vmem>>, vector<1x8x1x8x128xf32>
    %swap3A_357 = vector.shape_cast %swap3A_356 : vector<1x8x1x8x128xf32> to vector<8x8x128xf32>
    %swap3A_358 = vector.shape_cast %reshape3A_350 : vector<8x8x128xf32> to vector<1x8x1x8x128xf32>
    tpu.vector_store %arg3[%swap3A_351, %swap3A_352, %swap3A_353, %swap3A_354, %swap3A_355], %swap3A_358 {strides = array<i32>} : memref<1x8x32x8x128xf32, #tpu.memory_space<vmem>>, vector<1x8x1x8x128xf32>,
    %get3A_359 = arith.constant 0 : index
    %get3A_360 = arith.constant 19 : index
    %get3A_361 = arith.constant 0 : index
    %get3A_362 = arith.constant 0 : index
    %get3A_363 = vector.load %arg2[%get3A_359, %get3A_360, %get3A_361, %get3A_362] : memref<1x32x128x64xf32, #tpu.memory_space<vmem>>, vector<1x1x128x64xf32>
    %get3A_364 = vector.shape_cast %get3A_363 : vector<1x1x128x64xf32> to vector<128x64xf32>
    %broadcast_in_dim3A_365 = vector.shape_cast %get3A_2 : vector<64xf32> to vector<1x64xf32>
    %add3A_366 = vector.broadcast %broadcast_in_dim3A_365 : vector<1x64xf32> to vector<128x64xf32>
    %add3A_367 = arith.addf %get3A_364, %add3A_366 : vector<128x64xf32>
    %transpose3A_368 = tpu.transpose %add3A_367, [1, 0] : vector<128x64xf32> -> vector<64x128xf32>
    %reshape3A_369 = vector.shape_cast %transpose3A_368 : vector<64x128xf32> to vector<8x8x128xf32>
    %swap3A_370 = arith.constant 0 : index
    %swap3A_371 = arith.constant 0 : index
    %swap3A_372 = arith.constant 19 : index
    %swap3A_373 = arith.constant 0 : index
    %swap3A_374 = arith.constant 0 : index
    %swap3A_375 = vector.load %arg3[%swap3A_370, %swap3A_371, %swap3A_372, %swap3A_373, %swap3A_374] : memref<1x8x32x8x128xf32, #tpu.memory_space<vmem>>, vector<1x8x1x8x128xf32>
    %swap3A_376 = vector.shape_cast %swap3A_375 : vector<1x8x1x8x128xf32> to vector<8x8x128xf32>
    %swap3A_377 = vector.shape_cast %reshape3A_369 : vector<8x8x128xf32> to vector<1x8x1x8x128xf32>
    tpu.vector_store %arg3[%swap3A_370, %swap3A_371, %swap3A_372, %swap3A_373, %swap3A_374], %swap3A_377 {strides = array<i32>} : memref<1x8x32x8x128xf32, #tpu.memory_space<vmem>>, vector<1x8x1x8x128xf32>,
    %get3A_378 = arith.constant 0 : index
    %get3A_379 = arith.constant 20 : index
    %get3A_380 = arith.constant 0 : index
    %get3A_381 = arith.constant 0 : index
    %get3A_382 = vector.load %arg2[%get3A_378, %get3A_379, %get3A_380, %get3A_381] : memref<1x32x128x64xf32, #tpu.memory_space<vmem>>, vector<1x1x128x64xf32>
    %get3A_383 = vector.shape_cast %get3A_382 : vector<1x1x128x64xf32> to vector<128x64xf32>
    %broadcast_in_dim3A_384 = vector.shape_cast %get3A_2 : vector<64xf32> to vector<1x64xf32>
    %add3A_385 = vector.broadcast %broadcast_in_dim3A_384 : vector<1x64xf32> to vector<128x64xf32>
    %add3A_386 = arith.addf %get3A_383, %add3A_385 : vector<128x64xf32>
    %transpose3A_387 = tpu.transpose %add3A_386, [1, 0] : vector<128x64xf32> -> vector<64x128xf32>
    %reshape3A_388 = vector.shape_cast %transpose3A_387 : vector<64x128xf32> to vector<8x8x128xf32>
    %swap3A_389 = arith.constant 0 : index
    %swap3A_390 = arith.constant 0 : index
    %swap3A_391 = arith.constant 20 : index
    %swap3A_392 = arith.constant 0 : index
    %swap3A_393 = arith.constant 0 : index
    %swap3A_394 = vector.load %arg3[%swap3A_389, %swap3A_390, %swap3A_391, %swap3A_392, %swap3A_393] : memref<1x8x32x8x128xf32, #tpu.memory_space<vmem>>, vector<1x8x1x8x128xf32>
    %swap3A_395 = vector.shape_cast %swap3A_394 : vector<1x8x1x8x128xf32> to vector<8x8x128xf32>
    %swap3A_396 = vector.shape_cast %reshape3A_388 : vector<8x8x128xf32> to vector<1x8x1x8x128xf32>
    tpu.vector_store %arg3[%swap3A_389, %swap3A_390, %swap3A_391, %swap3A_392, %swap3A_393], %swap3A_396 {strides = array<i32>} : memref<1x8x32x8x128xf32, #tpu.memory_space<vmem>>, vector<1x8x1x8x128xf32>,
    %get3A_397 = arith.constant 0 : index
    %get3A_398 = arith.constant 21 : index
    %get3A_399 = arith.constant 0 : index
    %get3A_400 = arith.constant 0 : index
    %get3A_401 = vector.load %arg2[%get3A_397, %get3A_398, %get3A_399, %get3A_400] : memref<1x32x128x64xf32, #tpu.memory_space<vmem>>, vector<1x1x128x64xf32>
    %get3A_402 = vector.shape_cast %get3A_401 : vector<1x1x128x64xf32> to vector<128x64xf32>
    %broadcast_in_dim3A_403 = vector.shape_cast %get3A_2 : vector<64xf32> to vector<1x64xf32>
    %add3A_404 = vector.broadcast %broadcast_in_dim3A_403 : vector<1x64xf32> to vector<128x64xf32>
    %add3A_405 = arith.addf %get3A_402, %add3A_404 : vector<128x64xf32>
    %transpose3A_406 = tpu.transpose %add3A_405, [1, 0] : vector<128x64xf32> -> vector<64x128xf32>
    %reshape3A_407 = vector.shape_cast %transpose3A_406 : vector<64x128xf32> to vector<8x8x128xf32>
    %swap3A_408 = arith.constant 0 : index
    %swap3A_409 = arith.constant 0 : index
    %swap3A_410 = arith.constant 21 : index
    %swap3A_411 = arith.constant 0 : index
    %swap3A_412 = arith.constant 0 : index
    %swap3A_413 = vector.load %arg3[%swap3A_408, %swap3A_409, %swap3A_410, %swap3A_411, %swap3A_412] : memref<1x8x32x8x128xf32, #tpu.memory_space<vmem>>, vector<1x8x1x8x128xf32>
    %swap3A_414 = vector.shape_cast %swap3A_413 : vector<1x8x1x8x128xf32> to vector<8x8x128xf32>
    %swap3A_415 = vector.shape_cast %reshape3A_407 : vector<8x8x128xf32> to vector<1x8x1x8x128xf32>
    tpu.vector_store %arg3[%swap3A_408, %swap3A_409, %swap3A_410, %swap3A_411, %swap3A_412], %swap3A_415 {strides = array<i32>} : memref<1x8x32x8x128xf32, #tpu.memory_space<vmem>>, vector<1x8x1x8x128xf32>,
    %get3A_416 = arith.constant 0 : index
    %get3A_417 = arith.constant 22 : index
    %get3A_418 = arith.constant 0 : index
    %get3A_419 = arith.constant 0 : index
    %get3A_420 = vector.load %arg2[%get3A_416, %get3A_417, %get3A_418, %get3A_419] : memref<1x32x128x64xf32, #tpu.memory_space<vmem>>, vector<1x1x128x64xf32>
    %get3A_421 = vector.shape_cast %get3A_420 : vector<1x1x128x64xf32> to vector<128x64xf32>
    %broadcast_in_dim3A_422 = vector.shape_cast %get3A_2 : vector<64xf32> to vector<1x64xf32>
    %add3A_423 = vector.broadcast %broadcast_in_dim3A_422 : vector<1x64xf32> to vector<128x64xf32>
    %add3A_424 = arith.addf %get3A_421, %add3A_423 : vector<128x64xf32>
    %transpose3A_425 = tpu.transpose %add3A_424, [1, 0] : vector<128x64xf32> -> vector<64x128xf32>
    %reshape3A_426 = vector.shape_cast %transpose3A_425 : vector<64x128xf32> to vector<8x8x128xf32>
    %swap3A_427 = arith.constant 0 : index
    %swap3A_428 = arith.constant 0 : index
    %swap3A_429 = arith.constant 22 : index
    %swap3A_430 = arith.constant 0 : index
    %swap3A_431 = arith.constant 0 : index
    %swap3A_432 = vector.load %arg3[%swap3A_427, %swap3A_428, %swap3A_429, %swap3A_430, %swap3A_431] : memref<1x8x32x8x128xf32, #tpu.memory_space<vmem>>, vector<1x8x1x8x128xf32>
    %swap3A_433 = vector.shape_cast %swap3A_432 : vector<1x8x1x8x128xf32> to vector<8x8x128xf32>
    %swap3A_434 = vector.shape_cast %reshape3A_426 : vector<8x8x128xf32> to vector<1x8x1x8x128xf32>
    tpu.vector_store %arg3[%swap3A_427, %swap3A_428, %swap3A_429, %swap3A_430, %swap3A_431], %swap3A_434 {strides = array<i32>} : memref<1x8x32x8x128xf32, #tpu.memory_space<vmem>>, vector<1x8x1x8x128xf32>,
    %get3A_435 = arith.constant 0 : index
    %get3A_436 = arith.constant 23 : index
    %get3A_437 = arith.constant 0 : index
    %get3A_438 = arith.constant 0 : index
    %get3A_439 = vector.load %arg2[%get3A_435, %get3A_436, %get3A_437, %get3A_438] : memref<1x32x128x64xf32, #tpu.memory_space<vmem>>, vector<1x1x128x64xf32>
    %get3A_440 = vector.shape_cast %get3A_439 : vector<1x1x128x64xf32> to vector<128x64xf32>
    %broadcast_in_dim3A_441 = vector.shape_cast %get3A_2 : vector<64xf32> to vector<1x64xf32>
    %add3A_442 = vector.broadcast %broadcast_in_dim3A_441 : vector<1x64xf32> to vector<128x64xf32>
    %add3A_443 = arith.addf %get3A_440, %add3A_442 : vector<128x64xf32>
    %transpose3A_444 = tpu.transpose %add3A_443, [1, 0] : vector<128x64xf32> -> vector<64x128xf32>
    %reshape3A_445 = vector.shape_cast %transpose3A_444 : vector<64x128xf32> to vector<8x8x128xf32>
    %swap3A_446 = arith.constant 0 : index
    %swap3A_447 = arith.constant 0 : index
    %swap3A_448 = arith.constant 23 : index
    %swap3A_449 = arith.constant 0 : index
    %swap3A_450 = arith.constant 0 : index
    %swap3A_451 = vector.load %arg3[%swap3A_446, %swap3A_447, %swap3A_448, %swap3A_449, %swap3A_450] : memref<1x8x32x8x128xf32, #tpu.memory_space<vmem>>, vector<1x8x1x8x128xf32>
    %swap3A_452 = vector.shape_cast %swap3A_451 : vector<1x8x1x8x128xf32> to vector<8x8x128xf32>
    %swap3A_453 = vector.shape_cast %reshape3A_445 : vector<8x8x128xf32> to vector<1x8x1x8x128xf32>
    tpu.vector_store %arg3[%swap3A_446, %swap3A_447, %swap3A_448, %swap3A_449, %swap3A_450], %swap3A_453 {strides = array<i32>} : memref<1x8x32x8x128xf32, #tpu.memory_space<vmem>>, vector<1x8x1x8x128xf32>,
    %get3A_454 = arith.constant 0 : index
    %get3A_455 = arith.constant 24 : index
    %get3A_456 = arith.constant 0 : index
    %get3A_457 = arith.constant 0 : index
    %get3A_458 = vector.load %arg2[%get3A_454, %get3A_455, %get3A_456, %get3A_457] : memref<1x32x128x64xf32, #tpu.memory_space<vmem>>, vector<1x1x128x64xf32>
    %get3A_459 = vector.shape_cast %get3A_458 : vector<1x1x128x64xf32> to vector<128x64xf32>
    %broadcast_in_dim3A_460 = vector.shape_cast %get3A_2 : vector<64xf32> to vector<1x64xf32>
    %add3A_461 = vector.broadcast %broadcast_in_dim3A_460 : vector<1x64xf32> to vector<128x64xf32>
    %add3A_462 = arith.addf %get3A_459, %add3A_461 : vector<128x64xf32>
    %transpose3A_463 = tpu.transpose %add3A_462, [1, 0] : vector<128x64xf32> -> vector<64x128xf32>
    %reshape3A_464 = vector.shape_cast %transpose3A_463 : vector<64x128xf32> to vector<8x8x128xf32>
    %swap3A_465 = arith.constant 0 : index
    %swap3A_466 = arith.constant 0 : index
    %swap3A_467 = arith.constant 24 : index
    %swap3A_468 = arith.constant 0 : index
    %swap3A_469 = arith.constant 0 : index
    %swap3A_470 = vector.load %arg3[%swap3A_465, %swap3A_466, %swap3A_467, %swap3A_468, %swap3A_469] : memref<1x8x32x8x128xf32, #tpu.memory_space<vmem>>, vector<1x8x1x8x128xf32>
    %swap3A_471 = vector.shape_cast %swap3A_470 : vector<1x8x1x8x128xf32> to vector<8x8x128xf32>
    %swap3A_472 = vector.shape_cast %reshape3A_464 : vector<8x8x128xf32> to vector<1x8x1x8x128xf32>
    tpu.vector_store %arg3[%swap3A_465, %swap3A_466, %swap3A_467, %swap3A_468, %swap3A_469], %swap3A_472 {strides = array<i32>} : memref<1x8x32x8x128xf32, #tpu.memory_space<vmem>>, vector<1x8x1x8x128xf32>,
    %get3A_473 = arith.constant 0 : index
    %get3A_474 = arith.constant 25 : index
    %get3A_475 = arith.constant 0 : index
    %get3A_476 = arith.constant 0 : index
    %get3A_477 = vector.load %arg2[%get3A_473, %get3A_474, %get3A_475, %get3A_476] : memref<1x32x128x64xf32, #tpu.memory_space<vmem>>, vector<1x1x128x64xf32>
    %get3A_478 = vector.shape_cast %get3A_477 : vector<1x1x128x64xf32> to vector<128x64xf32>
    %broadcast_in_dim3A_479 = vector.shape_cast %get3A_2 : vector<64xf32> to vector<1x64xf32>
    %add3A_480 = vector.broadcast %broadcast_in_dim3A_479 : vector<1x64xf32> to vector<128x64xf32>
    %add3A_481 = arith.addf %get3A_478, %add3A_480 : vector<128x64xf32>
    %transpose3A_482 = tpu.transpose %add3A_481, [1, 0] : vector<128x64xf32> -> vector<64x128xf32>
    %reshape3A_483 = vector.shape_cast %transpose3A_482 : vector<64x128xf32> to vector<8x8x128xf32>
    %swap3A_484 = arith.constant 0 : index
    %swap3A_485 = arith.constant 0 : index
    %swap3A_486 = arith.constant 25 : index
    %swap3A_487 = arith.constant 0 : index
    %swap3A_488 = arith.constant 0 : index
    %swap3A_489 = vector.load %arg3[%swap3A_484, %swap3A_485, %swap3A_486, %swap3A_487, %swap3A_488] : memref<1x8x32x8x128xf32, #tpu.memory_space<vmem>>, vector<1x8x1x8x128xf32>
    %swap3A_490 = vector.shape_cast %swap3A_489 : vector<1x8x1x8x128xf32> to vector<8x8x128xf32>
    %swap3A_491 = vector.shape_cast %reshape3A_483 : vector<8x8x128xf32> to vector<1x8x1x8x128xf32>
    tpu.vector_store %arg3[%swap3A_484, %swap3A_485, %swap3A_486, %swap3A_487, %swap3A_488], %swap3A_491 {strides = array<i32>} : memref<1x8x32x8x128xf32, #tpu.memory_space<vmem>>, vector<1x8x1x8x128xf32>,
    %get3A_492 = arith.constant 0 : index
    %get3A_493 = arith.constant 26 : index
    %get3A_494 = arith.constant 0 : index
    %get3A_495 = arith.constant 0 : index
    %get3A_496 = vector.load %arg2[%get3A_492, %get3A_493, %get3A_494, %get3A_495] : memref<1x32x128x64xf32, #tpu.memory_space<vmem>>, vector<1x1x128x64xf32>
    %get3A_497 = vector.shape_cast %get3A_496 : vector<1x1x128x64xf32> to vector<128x64xf32>
    %broadcast_in_dim3A_498 = vector.shape_cast %get3A_2 : vector<64xf32> to vector<1x64xf32>
    %add3A_499 = vector.broadcast %broadcast_in_dim3A_498 : vector<1x64xf32> to vector<128x64xf32>
    %add3A_500 = arith.addf %get3A_497, %add3A_499 : vector<128x64xf32>
    %transpose3A_501 = tpu.transpose %add3A_500, [1, 0] : vector<128x64xf32> -> vector<64x128xf32>
    %reshape3A_502 = vector.shape_cast %transpose3A_501 : vector<64x128xf32> to vector<8x8x128xf32>
    %swap3A_503 = arith.constant 0 : index
    %swap3A_504 = arith.constant 0 : index
    %swap3A_505 = arith.constant 26 : index
    %swap3A_506 = arith.constant 0 : index
    %swap3A_507 = arith.constant 0 : index
    %swap3A_508 = vector.load %arg3[%swap3A_503, %swap3A_504, %swap3A_505, %swap3A_506, %swap3A_507] : memref<1x8x32x8x128xf32, #tpu.memory_space<vmem>>, vector<1x8x1x8x128xf32>
    %swap3A_509 = vector.shape_cast %swap3A_508 : vector<1x8x1x8x128xf32> to vector<8x8x128xf32>
    %swap3A_510 = vector.shape_cast %reshape3A_502 : vector<8x8x128xf32> to vector<1x8x1x8x128xf32>
    tpu.vector_store %arg3[%swap3A_503, %swap3A_504, %swap3A_505, %swap3A_506, %swap3A_507], %swap3A_510 {strides = array<i32>} : memref<1x8x32x8x128xf32, #tpu.memory_space<vmem>>, vector<1x8x1x8x128xf32>,
    %get3A_511 = arith.constant 0 : index
    %get3A_512 = arith.constant 27 : index
    %get3A_513 = arith.constant 0 : index
    %get3A_514 = arith.constant 0 : index
    %get3A_515 = vector.load %arg2[%get3A_511, %get3A_512, %get3A_513, %get3A_514] : memref<1x32x128x64xf32, #tpu.memory_space<vmem>>, vector<1x1x128x64xf32>
    %get3A_516 = vector.shape_cast %get3A_515 : vector<1x1x128x64xf32> to vector<128x64xf32>
    %broadcast_in_dim3A_517 = vector.shape_cast %get3A_2 : vector<64xf32> to vector<1x64xf32>
    %add3A_518 = vector.broadcast %broadcast_in_dim3A_517 : vector<1x64xf32> to vector<128x64xf32>
    %add3A_519 = arith.addf %get3A_516, %add3A_518 : vector<128x64xf32>
    %transpose3A_520 = tpu.transpose %add3A_519, [1, 0] : vector<128x64xf32> -> vector<64x128xf32>
    %reshape3A_521 = vector.shape_cast %transpose3A_520 : vector<64x128xf32> to vector<8x8x128xf32>
    %swap3A_522 = arith.constant 0 : index
    %swap3A_523 = arith.constant 0 : index
    %swap3A_524 = arith.constant 27 : index
    %swap3A_525 = arith.constant 0 : index
    %swap3A_526 = arith.constant 0 : index
    %swap3A_527 = vector.load %arg3[%swap3A_522, %swap3A_523, %swap3A_524, %swap3A_525, %swap3A_526] : memref<1x8x32x8x128xf32, #tpu.memory_space<vmem>>, vector<1x8x1x8x128xf32>
    %swap3A_528 = vector.shape_cast %swap3A_527 : vector<1x8x1x8x128xf32> to vector<8x8x128xf32>
    %swap3A_529 = vector.shape_cast %reshape3A_521 : vector<8x8x128xf32> to vector<1x8x1x8x128xf32>
    tpu.vector_store %arg3[%swap3A_522, %swap3A_523, %swap3A_524, %swap3A_525, %swap3A_526], %swap3A_529 {strides = array<i32>} : memref<1x8x32x8x128xf32, #tpu.memory_space<vmem>>, vector<1x8x1x8x128xf32>,
    %get3A_530 = arith.constant 0 : index
    %get3A_531 = arith.constant 28 : index
    %get3A_532 = arith.constant 0 : index
    %get3A_533 = arith.constant 0 : index
    %get3A_534 = vector.load %arg2[%get3A_530, %get3A_531, %get3A_532, %get3A_533] : memref<1x32x128x64xf32, #tpu.memory_space<vmem>>, vector<1x1x128x64xf32>
    %get3A_535 = vector.shape_cast %get3A_534 : vector<1x1x128x64xf32> to vector<128x64xf32>
    %broadcast_in_dim3A_536 = vector.shape_cast %get3A_2 : vector<64xf32> to vector<1x64xf32>
    %add3A_537 = vector.broadcast %broadcast_in_dim3A_536 : vector<1x64xf32> to vector<128x64xf32>
    %add3A_538 = arith.addf %get3A_535, %add3A_537 : vector<128x64xf32>
    %transpose3A_539 = tpu.transpose %add3A_538, [1, 0] : vector<128x64xf32> -> vector<64x128xf32>
    %reshape3A_540 = vector.shape_cast %transpose3A_539 : vector<64x128xf32> to vector<8x8x128xf32>
    %swap3A_541 = arith.constant 0 : index
    %swap3A_542 = arith.constant 0 : index
    %swap3A_543 = arith.constant 28 : index
    %swap3A_544 = arith.constant 0 : index
    %swap3A_545 = arith.constant 0 : index
    %swap3A_546 = vector.load %arg3[%swap3A_541, %swap3A_542, %swap3A_543, %swap3A_544, %swap3A_545] : memref<1x8x32x8x128xf32, #tpu.memory_space<vmem>>, vector<1x8x1x8x128xf32>
    %swap3A_547 = vector.shape_cast %swap3A_546 : vector<1x8x1x8x128xf32> to vector<8x8x128xf32>
    %swap3A_548 = vector.shape_cast %reshape3A_540 : vector<8x8x128xf32> to vector<1x8x1x8x128xf32>
    tpu.vector_store %arg3[%swap3A_541, %swap3A_542, %swap3A_543, %swap3A_544, %swap3A_545], %swap3A_548 {strides = array<i32>} : memref<1x8x32x8x128xf32, #tpu.memory_space<vmem>>, vector<1x8x1x8x128xf32>,
    %get3A_549 = arith.constant 0 : index
    %get3A_550 = arith.constant 29 : index
    %get3A_551 = arith.constant 0 : index
    %get3A_552 = arith.constant 0 : index
    %get3A_553 = vector.load %arg2[%get3A_549, %get3A_550, %get3A_551, %get3A_552] : memref<1x32x128x64xf32, #tpu.memory_space<vmem>>, vector<1x1x128x64xf32>
    %get3A_554 = vector.shape_cast %get3A_553 : vector<1x1x128x64xf32> to vector<128x64xf32>
    %broadcast_in_dim3A_555 = vector.shape_cast %get3A_2 : vector<64xf32> to vector<1x64xf32>
    %add3A_556 = vector.broadcast %broadcast_in_dim3A_555 : vector<1x64xf32> to vector<128x64xf32>
    %add3A_557 = arith.addf %get3A_554, %add3A_556 : vector<128x64xf32>
    %transpose3A_558 = tpu.transpose %add3A_557, [1, 0] : vector<128x64xf32> -> vector<64x128xf32>
    %reshape3A_559 = vector.shape_cast %transpose3A_558 : vector<64x128xf32> to vector<8x8x128xf32>
    %swap3A_560 = arith.constant 0 : index
    %swap3A_561 = arith.constant 0 : index
    %swap3A_562 = arith.constant 29 : index
    %swap3A_563 = arith.constant 0 : index
    %swap3A_564 = arith.constant 0 : index
    %swap3A_565 = vector.load %arg3[%swap3A_560, %swap3A_561, %swap3A_562, %swap3A_563, %swap3A_564] : memref<1x8x32x8x128xf32, #tpu.memory_space<vmem>>, vector<1x8x1x8x128xf32>
    %swap3A_566 = vector.shape_cast %swap3A_565 : vector<1x8x1x8x128xf32> to vector<8x8x128xf32>
    %swap3A_567 = vector.shape_cast %reshape3A_559 : vector<8x8x128xf32> to vector<1x8x1x8x128xf32>
    tpu.vector_store %arg3[%swap3A_560, %swap3A_561, %swap3A_562, %swap3A_563, %swap3A_564], %swap3A_567 {strides = array<i32>} : memref<1x8x32x8x128xf32, #tpu.memory_space<vmem>>, vector<1x8x1x8x128xf32>,
    %get3A_568 = arith.constant 0 : index
    %get3A_569 = arith.constant 30 : index
    %get3A_570 = arith.constant 0 : index
    %get3A_571 = arith.constant 0 : index
    %get3A_572 = vector.load %arg2[%get3A_568, %get3A_569, %get3A_570, %get3A_571] : memref<1x32x128x64xf32, #tpu.memory_space<vmem>>, vector<1x1x128x64xf32>
    %get3A_573 = vector.shape_cast %get3A_572 : vector<1x1x128x64xf32> to vector<128x64xf32>
    %broadcast_in_dim3A_574 = vector.shape_cast %get3A_2 : vector<64xf32> to vector<1x64xf32>
    %add3A_575 = vector.broadcast %broadcast_in_dim3A_574 : vector<1x64xf32> to vector<128x64xf32>
    %add3A_576 = arith.addf %get3A_573, %add3A_575 : vector<128x64xf32>
    %transpose3A_577 = tpu.transpose %add3A_576, [1, 0] : vector<128x64xf32> -> vector<64x128xf32>
    %reshape3A_578 = vector.shape_cast %transpose3A_577 : vector<64x128xf32> to vector<8x8x128xf32>
    %swap3A_579 = arith.constant 0 : index
    %swap3A_580 = arith.constant 0 : index
    %swap3A_581 = arith.constant 30 : index
    %swap3A_582 = arith.constant 0 : index
    %swap3A_583 = arith.constant 0 : index
    %swap3A_584 = vector.load %arg3[%swap3A_579, %swap3A_580, %swap3A_581, %swap3A_582, %swap3A_583] : memref<1x8x32x8x128xf32, #tpu.memory_space<vmem>>, vector<1x8x1x8x128xf32>
    %swap3A_585 = vector.shape_cast %swap3A_584 : vector<1x8x1x8x128xf32> to vector<8x8x128xf32>
    %swap3A_586 = vector.shape_cast %reshape3A_578 : vector<8x8x128xf32> to vector<1x8x1x8x128xf32>
    tpu.vector_store %arg3[%swap3A_579, %swap3A_580, %swap3A_581, %swap3A_582, %swap3A_583], %swap3A_586 {strides = array<i32>} : memref<1x8x32x8x128xf32, #tpu.memory_space<vmem>>, vector<1x8x1x8x128xf32>,
    %get3A_587 = arith.constant 0 : index
    %get3A_588 = arith.constant 31 : index
    %get3A_589 = arith.constant 0 : index
    %get3A_590 = arith.constant 0 : index
    %get3A_591 = vector.load %arg2[%get3A_587, %get3A_588, %get3A_589, %get3A_590] : memref<1x32x128x64xf32, #tpu.memory_space<vmem>>, vector<1x1x128x64xf32>
    %get3A_592 = vector.shape_cast %get3A_591 : vector<1x1x128x64xf32> to vector<128x64xf32>
    %broadcast_in_dim3A_593 = vector.shape_cast %get3A_2 : vector<64xf32> to vector<1x64xf32>
    %add3A_594 = vector.broadcast %broadcast_in_dim3A_593 : vector<1x64xf32> to vector<128x64xf32>
    %add3A_595 = arith.addf %get3A_592, %add3A_594 : vector<128x64xf32>
    %transpose3A_596 = tpu.transpose %add3A_595, [1, 0] : vector<128x64xf32> -> vector<64x128xf32>
    %reshape3A_597 = vector.shape_cast %transpose3A_596 : vector<64x128xf32> to vector<8x8x128xf32>
    %swap3A_598 = arith.constant 0 : index
    %swap3A_599 = arith.constant 0 : index
    %swap3A_600 = arith.constant 31 : index
    %swap3A_601 = arith.constant 0 : index
    %swap3A_602 = arith.constant 0 : index
    %swap3A_603 = vector.load %arg3[%swap3A_598, %swap3A_599, %swap3A_600, %swap3A_601, %swap3A_602] : memref<1x8x32x8x128xf32, #tpu.memory_space<vmem>>, vector<1x8x1x8x128xf32>
    %swap3A_604 = vector.shape_cast %swap3A_603 : vector<1x8x1x8x128xf32> to vector<8x8x128xf32>
    %swap3A_605 = vector.shape_cast %reshape3A_597 : vector<8x8x128xf32> to vector<1x8x1x8x128xf32>
    tpu.vector_store %arg3[%swap3A_598, %swap3A_599, %swap3A_600, %swap3A_601, %swap3A_602], %swap3A_605 {strides = array<i32>} : memref<1x8x32x8x128xf32, #tpu.memory_space<vmem>>, vector<1x8x1x8x128xf32>,
    return
  }
  func.func @transform_0(%arg0: i32) -> (i32, i32) {
    %c0_i32 = arith.constant 0 : i32
    %c0_i32_0 = arith.constant 0 : i32
    %c0_i32_1 = arith.constant 0 : i32
    return %c0_i32, %c0_i32_0 : i32, i32
  }
  func.func @transform_1(%arg0: i32) -> (i32, i32, i32, i32) {
    %c0_i32 = arith.constant 0 : i32
    %c0_i32_0 = arith.constant 0 : i32
    %c0_i32_1 = arith.constant 0 : i32
    %c0_i32_2 = arith.constant 0 : i32
    return %arg0, %c0_i32, %c0_i32_0, %c0_i32_1 : i32, i32, i32, i32
  }
  func.func @transform_2(%arg0: i32) -> (i32, i32, i32, i32, i32) {
    %c0_i32 = arith.constant 0 : i32
    %c0_i32_0 = arith.constant 0 : i32
    %c0_i32_1 = arith.constant 0 : i32
    %c0_i32_2 = arith.constant 0 : i32
    %c0_i32_3 = arith.constant 0 : i32
    return %arg0, %c0_i32, %c0_i32_0, %c0_i32_1, %c0_i32_2 : i32, i32, i32, i32, i32
  }
}

</mosaic_0001>

<sc_bundles>
// kernel: kernel.4.cloned.1.call-start
scs
__scs_entry_jumppad:
0x0: {  	(pc) =	sbr.rel $0x88, $3  }
0x1: {  	(tag) =	ssettag $0x0;
	lr =	simm.s32 $0x1  }
0x2: {  	[smem:$0x3F9F] =	sst lr;
	_ =	strace $0xD0000000  }
0x3: {  	_ = 	snop  }
0x4: {  	_ = 	snop  }
0x5: {  	_ = 	snop  }
0x6: {  	_ = 	snop  }
0x7: {  	_ = 	snop  }
__scs_overlays_trampoline_lowered:
0x8: {  	[smem:$0x3FAE] =	sst s0  }
0x9: {  	[smem:$0x3FAF] =	sst s1  }
0xa: {  	[smem:$0x3FB0] =	sst s2  }
0xb: {  	[smem:$0x3FB1] =	sst s3  }
0xc: {  	[smem:$0x3FB2] =	sst s4  }
0xd: {  	[smem:$0x3FB3] =	sst s5  }
0xe: {  	[smem:$0x3FB4] =	sst s6  }
0xf: {  	[smem:$0x3FB5] =	sst s7  }
0x10: {  	[smem:$0x3FB6] =	sst s8  }
0x11: {  	[smem:$0x3FB7] =	sst s9;
	s0 =	simm.s32 @!p0 $0x0  }
0x12: {  	s1 =	sld [smem:$0x3F9D];
	s0 =	simm.s32 @p0 $0x1  }
0x13: {  	[smem:$0x3FB8] =	sst s0;
	s0 =	simm.s32 @!p1 $0x0  }
0x14: {  	s2 =	sld [smem:$0x3F9C];
	s0 =	simm.s32 @p1 $0x1  }
0x15: {  	[smem:$0x3FB9] =	sst s0;
	s0 =	simm.s32 @!p2 $0x0  }
0x16: {  	s3 =	sld [smem:$0x3FDB];
	s0 =	simm.s32 @p2 $0x1  }
0x17: {  	s4 =	simm.s32 $0x1BF5;
	[smem:$0x3FBB] =	sst s0  }
0x18: {  	s0 =	sld [smem:$0x3F9E];
	_ =	swait.ge [sflag:s4], $0x0  }
0x19: {  	s7 =	sld [smem:$0x3F9F]  }
0x1a: {  	s8 =	sadd.s32 $0xFFFFE003, lr  }
0x1b: {  	s9 =	sadd.s32 $0xFFFFFEF7, lr;
	s5 =	simm.s32 $0xFFFFFFFF;
	p2 =	slt.u32 s8, $0xFFFFF086  }
0x1c: {  	p1 =	slt.u32 s9, $0xF7A;
	s5 =	simm.s32 @!p2 $0x0  }
0x1d: {  	s5 =	simm.s32 @p1 $0x1;
	p0 =	seq.s32 s7, s2  }
0x1e: {  	s7 =	smul.u32 @!p0 $0xF7A, s2;
	p2 =	seq.s32 @!p0 s5, $0x0  }
0x1f: {  	s9 =	smul.u32 $0xF7A, s1;
	s8 =	simm.s32 @!p0 $0x1BF5;
	p2 =	por !p2, p0  }
0x20: {  	[sflag:s8] =	ssyncset.s32 @!p0 $0xFFFFF086;
	s6 =	sadd.s32 @!p0 s3, s7;
	s7 =	simm.s32 @!p0 $0x108  }
0x21: {  	s3 =	sadd.s32 s3, s9;
	s6 =	sadd.s32 @!p0 $0x88, s6;
	s7 =	simm.s32 @p2 $0x1082  }
0x22: {  	[simem:s7], [sflag:s8] =	dma.local @!p0 [hbm:s6], $0xF7A  }
0x23: {  	s9 =	sor.u32 $0xD0000000, s2;
	s6 =	simm.s32 $0x108;
	_ =	swait.ge @!p0 [sflag:s8], $0x0  }
0x24: {  	s3 =	sadd.s32 $0x88, s3;
	s6 =	simm.s32 @!p1 $0x1082;
	[sflag:s4] =	ssyncset.s32 $0xFFFFF086  }
0x25: {  	[simem:s6], [sflag:s4] =	dma.local [hbm:s3], $0xF7A  }
0x26: {  	[smem:$0x3F9F] =	sst s1;
	(tag) =	ssettag s2;
	_ =	strace s9  }
0x27: {  	s1 =	sld [smem:$0x3FAF]  }
0x28: {  	s2 =	sld [smem:$0x3FB0]  }
0x29: {  	s4 =	sld [smem:$0x3FB2]  }
0x2a: {  	p0 =	seq.s32 s5, $0x0;
	s5 =	sld [smem:$0x3FB3]  }
0x2b: {  	s6 =	sld [smem:$0x3FB4]  }
0x2c: {  	s7 =	sld [smem:$0x3FB5]  }
0x2d: {  	s3 =	simm.s32 $0x108;
	s8 =	sld [smem:$0x3FB6]  }
0x2e: {  	s3 =	simm.s32 @!p0 $0x1082;
	s9 =	sld [smem:$0x3FB7]  }
0x2f: {  	lr =	sadd.s32 s0, s3;
	s0 =	sld [smem:$0x3FAE]  }
0x30: {  	s3 =	sld [smem:$0x3FB1]  }
0x31: {  	[smem:$0x3FBA] =	sst s10  }
0x32: {  	s10 =	sld [smem:$0x3FB8];
	_ =	sdelay $0x3  }
0x33: {  	p0 =	seq.s32 s10, $0x1;
	s10 =	sld [smem:$0x3FBA];
	_ =	sdelay $0x3  }
0x34: {  	[smem:$0x3FBA] =	sst s10  }
0x35: {  	s10 =	sld [smem:$0x3FB9];
	_ =	sdelay $0x3  }
0x36: {  	p1 =	seq.s32 s10, $0x1;
	s10 =	sld [smem:$0x3FBA];
	_ =	sdelay $0x3  }
0x37: {  	[smem:$0x3FBA] =	sst s10  }
0x38: {  	s10 =	sld [smem:$0x3FBB]  }
0x39: {  	_ = 	snop;
	(pc) =	sbr.ind lr, $3  }
0x3a: {  	_ = 	snop  }
0x3b: {  	_ = 	snop  }
0x3c: {  	p2 =	seq.s32 s10, $0x1;
	s10 =	sld [smem:$0x3FBA]  }
0x3d: {  	_ =	shalt  }
0x3e: {  	_ =	shalt  }
0x3f: {  	_ =	shalt  }
0x40: {  	_ =	shalt  }
0x41: {  	_ =	shalt  }
0x42: {  	_ =	shalt  }
0x43: {  	_ =	shalt  }
0x44: {  	_ =	shalt  }
0x45: {  	_ =	shalt  }
0x46: {  	_ =	shalt  }
0x47: {  	_ =	shalt  }
0x48: {  	_ =	shalt  }
0x49: {  	_ =	shalt  }
0x4a: {  	_ =	shalt  }
0x4b: {  	_ =	shalt  }
0x4c: {  	_ =	shalt  }
0x4d: {  	_ =	shalt  }
0x4e: {  	_ =	shalt  }
0x4f: {  	_ =	shalt  }
0x50: {  	_ =	shalt  }
0x51: {  	_ =	shalt  }
0x52: {  	_ =	shalt  }
0x53: {  	_ =	shalt  }
0x54: {  	_ =	shalt  }
0x55: {  	_ =	shalt  }
0x56: {  	_ =	shalt  }
0x57: {  	_ =	shalt  }
0x58: {  	_ =	shalt  }
0x59: {  	_ =	shalt  }
0x5a: {  	_ =	shalt  }
0x5b: {  	_ =	shalt  }
0x5c: {  	_ =	shalt  }
0x5d: {  	_ =	shalt  }
0x5e: {  	_ =	shalt  }
0x5f: {  	_ =	shalt  }
0x60: {  	_ =	shalt  }
0x61: {  	_ =	shalt  }
0x62: {  	_ =	shalt  }
0x63: {  	_ =	shalt  }
0x64: {  	_ =	shalt  }
0x65: {  	_ =	shalt  }
0x66: {  	_ =	shalt  }
0x67: {  	_ =	shalt  }
0x68: {  	_ =	shalt  }
0x69: {  	_ =	shalt  }
0x6a: {  	_ =	shalt  }
0x6b: {  	_ =	shalt  }
0x6c: {  	_ =	shalt  }
0x6d: {  	_ =	shalt  }
0x6e: {  	_ =	shalt  }
0x6f: {  	_ =	shalt  }
0x70: {  	_ =	shalt  }
0x71: {  	_ =	shalt  }
0x72: {  	_ =	shalt  }
0x73: {  	_ =	shalt  }
0x74: {  	_ =	shalt  }
0x75: {  	_ =	shalt  }
0x76: {  	_ =	shalt  }
0x77: {  	_ =	shalt  }
0x78: {  	_ =	shalt  }
0x79: {  	_ =	shalt  }
0x7a: {  	_ =	shalt  }
0x7b: {  	_ =	shalt  }
0x7c: {  	_ =	shalt  }
0x7d: {  	_ =	shalt  }
0x7e: {  	_ =	shalt  }
0x7f: {  	_ =	shalt  }
0x80: {  	_ =	shalt  }
0x81: {  	_ =	shalt  }
0x82: {  	_ =	shalt  }
0x83: {  	_ =	shalt  }
0x84: {  	_ =	shalt  }
0x85: {  	_ =	shalt  }
0x86: {  	_ =	shalt  }
0x87: {  	_ =	shalt  }
.Lfunc_end0:
.L_simem_size_0:
called_computation_lowered:
.L_overlay_start_0:
0x88: {  	s2 =	sld [smem:$0x3FD9]  }
0x89: {  	s3 =	sld [smem:$0x3FFE];
	_ =	sdelay $0x1  }
0x8a: {  	s1 =	srdreg.scid  }
0x8b: {  	s0 =	sand.u32 $0x1, s1  }
0x8c: {  	s17 =	sshll.u32 s0, $0xA;
	s2 =	sadd.s32 s3, s2  }
0x8d: {  	s2 =	sadd.s32 s2, s17  }
0x8e: {  	[smem:$0x3FC6] =	sst s2  }
0x8f: {  	_ = 	snop  }
0x90: {  	s2 =	sld [smem:$0x3FD0];
	(tm) =	ssettm $0x1  }
0x91: {  	s18 =	sld [smem:$0x3FFB];
	_ =	sdelay $0x3  }
0x92: {  	_ =	strace s18  }
0x93: {  	s3 =	sld [smem:$0x3FFC];
	_ =	sdelay $0x3  }
0x94: {  	_ =	strace s3  }
0x95: {  	s3 =	sld [smem:$0x3FFD];
	_ =	sdelay $0x3  }
0x96: {  	_ =	strace s3  }
0x97: {  	_ =	strace $0x8FFFFFFF  }
0x98: {  	s19 =	sld [smem:$0x3FDB];
	_ =	sdelay $0x1  }
0x99: {  	s4 =	simm.s32 $_scs_section_size  }
0x9a: {  	s5 =	simm.s32 $_size__tile_overlayer_lowered;
	s6 =	simm.s32 $_tile_overlayer_lowered  }
0x9b: {  	s22 =	simm.s32 $0x1BFF;
	s21 =	sshll.u32 s6, $0x1;
	s3 =	sadd.s32 s4, s19  }
0x9c: {  	s7 =	simm.s32 $0x0;
	s20 =	sshll.u32 s5, $0x1;
	s5 =	sadd.s32 s21, s3  }
0x9d: {  	[timem:s7], [sflag:s22] =	dma.local [hbm:s5], s20  }
0x9e: {  	_ =	swait.ge [sflag:s22], s20  }
0x9f: {  	s4 =	ssub.s32 $0x0, s20;
	[sflag:s22] =	ssyncset.done $0x0  }
0xa0: {  	[sflag:s22] =	ssyncadd.s32 s4;
	_ =	sdelay $0x1  }
0xa1: {  	s23 =	simm.s32 $0x1B8B  }
0xa2: {  	_ =	swait.ge [sflag:s23], $0x1  }
0xa3: {  	[sflag:s23] =	ssyncset.done $0x0  }
0xa4: {  	s25 =	simm.s32 $0x1B8E;
	s24 =	sld [smem:$0x3FFE];
	[sflag:s23] =	ssyncadd.s32 $0xFFFFFFFF  }
0xa5: {  	s26 =	simm.s32 $execute0_lowered;
	[smem:$0x3FD2] =	sst s25  }
0xa6: {  	s5 =	sshll.u32 s26, $0x1;
	_ =	strace $0x80000046;
	[dreg:$0x1] =	wrdreg $0xFFFFFFFF  }
0xa7: {  	s28 =	simm.s32 $_size_execute0_lowered;
	s3 =	sadd.s32 s3, s5;
	[dreg:$0x0] =	wrdreg $0x0  }
0xa8: {  	s5 =	sshll.u32 s28, $0x1;
	[dreg:$0x2] =	wrdreg s3  }
0xa9: {  	[dreg:$0x3] =	wrdreg s5  }
0xaa: {  	[dreg:$0x4] =	wrdreg $0xC0  }
0xab: {  	_ =	task [dreg:s7], $0x5FFFF  }
0xac: {  	[dreg:$0x1] =	wrdreg $0xFFFFFFFF  }
0xad: {  	[dreg:$0x0] =	wrdreg $0x60  }
0xae: {  	[dreg:$0x2] =	wrdreg s24  }
0xaf: {  	[dreg:$0x3] =	wrdreg s2  }
0xb0: {  	[dreg:$0x4] =	wrdreg $0x9  }
0xb1: {  	_ =	task.clear_ibuf [dreg:s7], $0x5FFFF;
	_ =	strace $0x90000046  }
0xb2: {  	s29 =	simm.s32 $0x9;
	_ =	strace $0x80000048  }
0xb3: {  	_ =	swait.ge [sflag:s29], $0x1  }
0xb4: {  	[sflag:s29] =	ssyncadd.s32 $0xFFFFFFFF  }
0xb5: {  	_ =	strace $0x90000048  }
0xb6: {  	_ =	sfence  }
0xb7: {  	s30 =	sld [smem:$0x0];
	_ =	sdelay $0x2  }
0xb8: {  	s31 =	sshll.u32 s1, $0xD;
	s1 =	sshrl.u32 s1, $0x2  }
0xb9: {  	s3 =	sand.u32 $0x4000, s31;
	s1 =	sadd.s32 s1, s30  }
0xba: {  	s0 =	sor.u32 s3, s0;
	s1 =	sshll.u32 s1, $0x11  }
0xbb: {  	s0 =	sor.u32 s1, s0  }
0xbc: {  	s0 =	sadd.s32 $0x8F2B, s0  }
0xbd: {  	[sflag:s0] =	ssyncadd.remote.s32 $0x1  }
0xbe: {  	_ =	sfence.sel $0xFFFF  }
0xbf: {  	[dreg:$0x0] =	wrdreg $0xFFFFFFFF;
	(pc) =	sbr.abs _section_cstart, $3  }
0xc0: {  	[dreg:$0x1] =	wrdreg $0xFFFFFFFF  }
0xc1: {  	_ =	task.clear_ibuf [dreg:s7], $0x2FFFF;
	_ =	strace $0x9FFFFFFF  }
0xc2: {  	(tm) =	ssettm $0x7FFFFFFF  }
0xc3: {  	_ =	shalt  }
tec
execute0_lowered:
.L_overlay_start_1:
0x0: {  	(tag) =	ssettag $0x1  }
0x1: {  	s4 =	rddreg [dreg:$0x0]  }
0x2: {  	s5 =	rddreg [dreg:$0x1]  }
0x3: {  	s0 =	rddreg [dreg:$0x2]  }
0x4: {  	s3 =	srdreg.scid;
	s1 =	stileid.u32  }
0x5: {  	s2 =	simm.s32 $0x0;
	s9 =	simm.s32 $0x1;
	s10 =	simm.s32 $0x800  }
0x6: {  	s11 =	simm.s32 $0x3;
	s12 =	simm.s32 $0x2;
	s13 =	simm.s32 $0x0  }
0x7: {  	s3 =	sand.u32 $0x1, s3;
	s6 =	sshll.u32 s1, $0x1;
	[smem:$0x7FF] =	sst s2  }
.Ltmp0:
0x8: {  	s6 =	sor.u32 s3, s6;
	_ =	strace $0x80000047;
	(pc) =	sbr.rel .LBB2_1-.Ltmp0, $4  }
0x9: {  	s8 =	ssub.s32 $0x2, s3;
	s3 =	sadd.s32 $0xF42C00, s4;
	s7 =	sshll.u32 s6, $0x4  }
0xa: {  	s31 =	sshrl.u32 s8, $0x1;
	s6 =	sshll.u32 s6, $0xA;
	s4 =	sadd.s32 s7, s4  }
0xb: {  	s7 =	ssub.s32 s8, s31;
	s5 =	sadd.s32 s5, s6;
	s8 =	simm.s32 $0x1000  }
0xc: {  	s4 =	sadd.s32 $0x800, s4;
	s6 =	smax.u32 s7, $0x1;
	s7 =	simm.s32 $0x80  }
.LBB2_10:
0xd: {  	s13 =	sadd.s32 $0x1, s13  }
0xe: {  	_ =	swait.ge [sflag:s11], $0x2000;
	p0 =	sne.s32 s13, s6  }
.Ltmp1:
0xf: {  	[sflag:s11] =	ssyncset.done $0x0;
	(pc) =	sbr.rel @!p0 .LBB2_11-.Ltmp1, $4  }
0x10: {  	[sflag:s11] =	ssyncadd.s32 $0xFFFFE000  }
0x11: {  	_ =	swait.ge [sflag:s11], $0x2000  }
0x12: {  	[sflag:s11] =	ssyncset.done $0x0  }
0x13: {  	[sflag:s11] =	ssyncadd.s32 $0xFFFFE000  }
.LBB2_1:
0x14: {  	[tilespmem:s2], [sflag:$0x1] =	stream.strided.gather [hbm4b:s4+s7], $0x400, s8, s7, $0x38;
	[tilespmem:$0x6800] =	vst v63  }
.Ltmp2:
0x15: {  	_ = 	snop;
	(pc) =	sbr.rel .LBB2_2-.Ltmp2, $4  }
0x16: {  	_ =	swait.ge [sflag:s9], $0x400  }
0x17: {  	[sflag:s9] =	ssyncset.done $0x0  }
0x18: {  	s14 =	simm.s32 $0x0;
	[sflag:s9] =	ssyncadd.s32 $0xFFFFFC00  }
0x19: {  	[tilespmem:s10], [sflag:$0x2] =	stream.indirect.gather [hbm4b:s3+s7], $0x40, s2, s7, $0xb8;
	[tilespmem:$0x6800] =	vst v63  }
.LBB2_8:
0x1a: {  	s15 =	sadd.s32 $0x1, s14  }
0x1b: {  	s16 =	sand.u32 $0xFF, s15  }
0x1c: {  	s16 =	smul.u32 $0xAB, s16;
	_ =	sdelay $0x1  }
0x1d: {  	s16 =	sshrl.u32 s16, $0x9  }
0x1e: {  	s16 =	smul.u32 $0x3, s16;
	_ =	sdelay $0x1  }
0x1f: {  	s16 =	ssub.s32 s15, s16  }
0x20: {  	s16 =	sand.u32 $0xFF, s16  }
0x21: {  	s17 =	sshll.u32 s15, $0x7;
	s16 =	sshll.u32 s16, $0xD  }
0x22: {  	s17 =	sand.u32 $0x780, s17;
	s16 =	sor.u32 $0x800, s16  }
0x23: {  	[tilespmem:s16], [sflag:$0x2] =	stream.indirect.gather [hbm4b:s3+s7], $0x40, s17, s7, $0xb8;
	[tilespmem:$0x6800] =	vst v63  }
.LBB2_9:
0x24: {  	s16 =	smul.u32 $0xAB, s14;
	_ =	sdelay $0x1  }
0x25: {  	s16 =	sshrl.u32 s16, $0x9  }
0x26: {  	s16 =	sand.u32 $0x7F, s16  }
0x27: {  	s16 =	smul.u32 $0x3, s16;
	_ =	sdelay $0x1  }
0x28: {  	p0 =	slt.u32 s15, $0xC8;
	s16 =	ssub.s32 s14, s16  }
.Ltmp3:
0x29: {  	_ =	swait.ge [sflag:s12], $0x2000;
	s16 =	sand.u32 $0xFF, s16;
	(pc) =	sbr.rel @!p0 .LBB2_10-.Ltmp3, $4  }
0x2a: {  	s31 =	sshll.u32 s14, $0xF;
	[sflag:s12] =	ssyncset.done $0x0;
	s16 =	sshll.u32 s16, $0xD  }
0x2b: {  	[sflag:s12] =	ssyncadd.s32 $0xFFFFE000;
	s14 =	sadd.s32 s31, s5;
	s16 =	sor.u32 $0x800, s16  }
0x2c: {  	[hbm4b:s14+s2] =	stream.linear.scatter [tilespmem:s16], [sflag:$0x3], $0x2000, $0x38;
	[tilespmem:$0x6800] =	vst v63  }
0x2d: {  	s14 =	smov.u32 s15  }
.LBB2_2:
0x2e: {  	s15 =	sand.u32 $0x7, s14;
	p0 =	sgt.u32 s14, $0xBF  }
0x2f: {  	p1 =	sne.s32 @!p0 s15, $0x0  }
0x30: {  	p1 =	por p0, p1  }
.Ltmp4:
0x31: {  	_ = 	snop;
	(pc) =	sbr.rel @p1 .LBB2_5-.Ltmp4, $1  }
0x32: {  	_ =	sdelay $0x3  }
0x33: {  	s15 =	sshll.u32 s14, $0x9  }
0x34: {  	s15 =	sadd.s32 $0x1000, s15  }
0x35: {  	s16 =	sand.u32 $0x1000, s15  }
0x36: {  	s15 =	sadd.s32 s15, s4;
	s16 =	sshrl.u32 s16, $0x2  }
0x37: {  	[tilespmem:s16], [sflag:$0x1] =	stream.strided.gather [hbm4b:s15+s7], $0x400, s8, s7, $0x38;
	[tilespmem:$0x6800] =	vst v63  }
.LBB2_4:
0x38: {  	p0 =	slt.u32 s14, $0x2  }
.Ltmp5:
0x39: {  	_ = 	snop;
	(pc) =	sbr.rel @p0 .LBB2_8-.Ltmp5, $4  }
.Ltmp6:
0x3a: {  	_ = 	snop;
	(pc) =	sbr.rel @!p0 .LBB2_7-.Ltmp6, $4  }
0x3b: {  	_ = 	snop  }
0x3c: {  	_ = 	snop  }
0x3d: {  	_ = 	snop  }
0x3e: {  	_ = 	snop  }
.LBB2_5:
0x3f: {  	p1 =	sne.s32 @!p0 s15, $0x7  }
0x40: {  	p0 =	por p0, p1  }
.Ltmp7:
0x41: {  	_ = 	snop;
	(pc) =	sbr.rel @p0 .LBB2_4-.Ltmp7, $1  }
0x42: {  	_ =	sdelay $0x3  }
0x43: {  	_ =	swait.ge [sflag:s9], $0x400  }
0x44: {  	[sflag:s9] =	ssyncset.done $0x0  }
0x45: {  	[sflag:s9] =	ssyncadd.s32 $0xFFFFFC00  }
.LBB2_7:
0x46: {  	p0 =	seq.s32 s14, $0xC7  }
.Ltmp8:
0x47: {  	_ = 	snop;
	(pc) =	sbr.rel @p0 .LBB2_9-.Ltmp8, $4  }
.Ltmp9:
0x48: {  	_ = 	snop;
	(pc) =	sbr.rel @!p0 .LBB2_8-.Ltmp9, $4  }
0x49: {  	_ =	swait.ge [sflag:s11], $0x2000  }
0x4a: {  	[sflag:s11] =	ssyncset.done $0x0  }
0x4b: {  	s15 =	simm.s32 $0xC8;
	[sflag:s11] =	ssyncadd.s32 $0xFFFFE000  }
0x4c: {  	_ = 	snop  }
.LBB2_11:
0x4d: {  	_ =	sfence.sel $0x180000  }
0x4e: {  	[bflag:$0x0] =	sbarrier.arrive $0xFFFF  }
0x4f: {  	p0 =	sne.s32 s1, $0x0;
	_ =	strace $0x90000047  }
0x50: {  	s0 =	sadd.s32 @!p0 $0x100000, s0;
	[bflag:$0x2] =	sbarrier.arrive $0xFFFF  }
0x51: {  	[sflag:s0] =	ssyncadd.tile.s32 @!p0 $0x1;
	_ =	shalt  }
.Lfunc_end2:
_tile_overlayer_lowered:
.L_overlay_start_2:
0x52: {  	(tag) =	ssettag $0x2  }
0x53: {  	s0 =	rddreg [dreg:$0x0];
	s2 =	stileid.u32  }
0x54: {  	s1 =	rddreg [dreg:$0x1];
	p0 =	sne.s32 s2, $0x0  }
0x55: {  	s3 =	rddreg [dreg:$0x2];
	[bflag:$0x3] =	sbarrier.arrive $0xFFFF;
	s2 =	simm.s32 @!p0 $0x1C04  }
0x56: {  	[timem:s3], [sflag:s2] =	dma.local @!p0 [hbm:s0], s1  }
0x57: {  	s0 =	simm.s32 @!p0 $0x4  }
0x58: {  	_ =	swait.ge @!p0 [sflag:s0], s1  }
0x59: {  	s1 =	ssub.s32 @!p0 $0x0, s1;
	[sflag:s0] =	ssyncset.done @!p0 $0x0  }
0x5a: {  	[sflag:s0] =	ssyncadd.s32 @!p0 s1  }
0x5b: {  	[bflag:$0x3] =	sbarrier.arrive $0xFFFF  }
0x5c: {  	_ =	shalt  }

</sc_bundles>
